<compile_context>
chip_gen: v7x
topology: tpu7x:2x2x1
jax: 0.10.2.dev20260603
libtpu: 0.0.44.dev20260713+nightly
codegen_flags: <defaults>
</compile_context>

<pallas_src>
import functools

import jax
import jax.numpy as jnp
from jax import lax
from jax.experimental import pallas as pl
from jax.experimental.pallas import tpu as pltpu
from jax.experimental.pallas import tpu_sc as plsc

_DIM = 128
_MAX_W = 32
_B = 64
_S = 1024
_T = _B * _S
_TSC = 32768
_TTC = _T - _TSC
_NW = 32
_TPW = _TSC // _NW
_RPD = 128
_NDMA = _TPW // _RPD
_NBUF = 6
_AHEAD = 5
_TCB = 512


def _sc_body(pos_hbm, mask_hbm, table_hbm, out_hbm, pos_v, mask_v, idx_v,
             rows_v, table_sh, gsem, wsem):
    sid = lax.axis_index("s")
    wid = sid * 2 + lax.axis_index("c")
    base = wid * _TPW

    @pl.when(sid == 0)
    def _():
        pltpu.sync_copy(table_hbm, table_sh)

    pltpu.sync_copy(pos_hbm.at[pl.ds(base, _TPW)], pos_v)
    pltpu.sync_copy(mask_hbm.at[pl.ds(base, _TPW)], mask_v)

    const_row = jnp.full((16,), 1024, jnp.int32)

    def idx_body(i, carry):
        t = i * 16
        pv = pos_v[pl.ds(t, 16)]
        hv = pv & 0xFFFF
        wv = lax.shift_right_logical(pv, 16)
        mv = mask_v[pl.ds(t, 16)]
        flat = hv * _MAX_W + wv
        idx_v[i // 8, pl.ds((i % 8) * 16, 16)] = jnp.where(mv != 0, flat,
                                                           const_row)
        return carry

    lax.fori_loop(0, _TPW // 16, idx_body, 0)
    plsc.subcore_barrier()

    gathers = [None] * _NDMA
    writes = [None] * _NDMA

    def start_gather(j):
        c = pltpu.make_async_copy(table_sh.at[idx_v.at[j]],
                                  rows_v.at[j % _NBUF], gsem)
        c.start()
        return c

    for j in range(min(_AHEAD, _NDMA)):
        gathers[j] = start_gather(j)
    for j in range(_NDMA):
        g = j + _AHEAD
        if g < _NDMA:
            if g >= _NBUF and writes[g - _NBUF] is not None:
                writes[g - _NBUF].wait()
            gathers[g] = start_gather(g)
        gathers[j].wait()
        writes[j] = pltpu.async_copy(
            rows_v.at[j % _NBUF],
            out_hbm.at[pl.ds(base + j * _RPD, _RPD)], wsem)
    for j in range(max(0, _NDMA - _NBUF), _NDMA):
        if writes[j] is not None:
            writes[j].wait()


@functools.partial(jax.jit, static_argnames=())
def _run_sc(pos_packed, mask_flat, table_full):
    fn = pl.kernel(
        _sc_body,
        out_type=jax.ShapeDtypeStruct((_T, _DIM), jnp.float32),
        mesh=plsc.VectorSubcoreMesh(core_axis_name="c", subcore_axis_name="s"),
        scratch_types=[
            pltpu.VMEM((_TPW,), jnp.int32),
            pltpu.VMEM((_TPW,), jnp.int32),
            pltpu.VMEM((_NDMA, _RPD), jnp.int32),
            pltpu.VMEM((_NBUF, _RPD, _DIM), jnp.float32),
            pltpu.VMEM_SHARED((1025, _DIM), jnp.float32),
            pltpu.SemaphoreType.DMA,
            pltpu.SemaphoreType.DMA,
        ],
    )
    return fn(pos_packed, mask_flat, table_full)


def _tc_body(pos_ref, mask_ref, tab_ref, prev_ref, out_ref):
    del prev_ref
    p = pos_ref[0, 0, :]
    m = mask_ref[0, 0, :]
    flat = (p & 0xFFFF) * _MAX_W + lax.shift_right_logical(p, 16)
    onehot = (flat[:, None]
              == lax.broadcasted_iota(jnp.int32, (_TCB, 1024), 1))
    rows = lax.dot_general(
        onehot.astype(jnp.bfloat16), tab_ref[...],
        (((1,), (0,)), ((), ())),
        preferred_element_type=jnp.float32)
    cs = lax.broadcasted_iota(jnp.int32, (_TCB, _DIM), 1) % 2 == 0
    mrow = jnp.where(cs, 1.0, 0.0).astype(jnp.float32)
    out_ref[...] = jnp.where(m[:, None] != 0, rows, mrow)


@functools.partial(jax.jit, static_argnames=())
def _run_tc(pos3, mask3, tab_bf16, prev):
    nblk = _TTC // _TCB
    return pl.pallas_call(
        _tc_body,
        grid=(nblk,),
        in_specs=[
            pl.BlockSpec((1, 1, _TCB), lambda i: (i, 0, 0)),
            pl.BlockSpec((1, 1, _TCB), lambda i: (i, 0, 0)),
            pl.BlockSpec((1024, _DIM), lambda i: (0, 0)),
            pl.BlockSpec(memory_space=pl.ANY),
        ],
        out_specs=pl.BlockSpec((_TCB, _DIM), lambda i: (_TSC // _TCB + i, 0)),
        out_shape=jax.ShapeDtypeStruct((_T, _DIM), jnp.float32),
        input_output_aliases={3: 0},
    )(pos3, mask3, tab_bf16, prev)


def kernel(pos_idx, pos_idx_mask, table_cos, table_sin):
    comb = jnp.stack([table_cos, table_sin], axis=-1).reshape(1024, _DIM)
    mask_row = jnp.tile(jnp.array([1.0, 0.0], jnp.float32), _DIM // 2)
    table_full = jnp.concatenate([comb, mask_row[None]], axis=0)

    pos_packed = lax.bitcast_convert_type(
        pos_idx.astype(jnp.int16).reshape(_T, 2), jnp.int32)
    mask_flat = pos_idx_mask.astype(jnp.int32).reshape(_T)

    out_sc = _run_sc(pos_packed[:_TSC], mask_flat[:_TSC], table_full)

    nblk = _TTC // _TCB
    pos3 = pos_packed[_TSC:].reshape(nblk, 1, _TCB)
    mask3 = mask_flat[_TSC:].reshape(nblk, 1, _TCB)
    out = _run_tc(pos3, mask3, comb.astype(jnp.bfloat16), out_sc)
    return out.reshape(_B, _S, _DIM // 2, 2)

# --- scband reference (transcript-rebuilt; emitter-appended) ---
"""Pipeline reference for scband-rope2-dpos-emb-21431886807620 (READ-ONLY COPY).

The authoritative reference and input builder live on the scoring server;
editing this copy changes nothing except your own understanding.
"""

import jax, jax.numpy as jnp
import numpy as np

DIM = 128
MAX_H = 32
MAX_W = 32
THETA = 10000.0
B = 64
S = 1024


def _tables():
    # Faithful port of Rope2DPosEmb.precomputed_freqs_cis, with the complex
    # cis table represented as separate real (cos) and imaginary (sin) parts.
    N = MAX_H * MAX_W
    flat_pos = jnp.arange(0, N).astype(jnp.float32)
    x_pos = flat_pos % MAX_W
    y_pos = jnp.floor(flat_pos / MAX_W)
    dim_range = jnp.arange(0, DIM, 4)[: DIM // 4].astype(jnp.float32)
    freqs = 1.0 / THETA ** (dim_range / DIM)
    x_freqs = jnp.outer(x_pos, freqs).astype(jnp.float32)
    y_freqs = jnp.outer(y_pos, freqs).astype(jnp.float32)
    # torch.cat([x.unsqueeze(-1), y.unsqueeze(-1)], -1).reshape(H, W, -1)
    table_cos = jnp.stack([jnp.cos(x_freqs), jnp.cos(y_freqs)], axis=-1).reshape(MAX_H, MAX_W, DIM // 2)
    table_sin = jnp.stack([jnp.sin(x_freqs), jnp.sin(y_freqs)], axis=-1).reshape(MAX_H, MAX_W, DIM // 2)
    return table_cos, table_sin


def setup_inputs(seed: int = 0) -> dict:
    key = jax.random.key(seed)
    pos_idx = jax.random.randint(jax.random.fold_in(key, 1), (B, S, 2), 0, 32)
    pos_idx_mask = jnp.ones((B, S), dtype=bool)
    table_cos, table_sin = _tables()
    return {
        "pos_idx": pos_idx,
        "pos_idx_mask": pos_idx_mask,
        "table_cos": table_cos,
        "table_sin": table_sin,
    }


def reference(pos_idx, pos_idx_mask, table_cos, table_sin):
    # get_freqs_cis_by_idx: gather cis(h, w) per token; masked-off tokens get 1+0j.
    h_idx = pos_idx[..., 0]
    w_idx = pos_idx[..., 1]
    g_cos = table_cos[h_idx, w_idx]  # (B, S, DIM//2)
    g_sin = table_sin[h_idx, w_idx]  # (B, S, DIM//2)
    out_cos = jnp.where(pos_idx_mask[..., None], g_cos, 1.0)
    out_sin = jnp.where(pos_idx_mask[..., None], g_sin, 0.0)
    # complex64 freqs_cis represented as (..., DIM//2, 2) = (real, imag)
    return jnp.stack([out_cos, out_sin], axis=-1)

if __name__ == "__main__":
    import jax
    _d = setup_inputs()
    print(jax.jit(kernel)(*tuple(_d.values())))

</pallas_src>

<mosaic_0001>
#map = affine_map<(d0, d1) -> (0)>
#map1 = affine_map<(d0, d1) -> (0, 0)>
module attributes {stable_mosaic.version = 14 : i64} {
  func.func @_sc_body(%arg0: i32, %arg1: i32, %arg2: memref<32768xi32, #tpu.memory_space<hbm>>, %arg3: memref<32768xi32, #tpu.memory_space<hbm>>, %arg4: memref<1025x128xf32, #tpu.memory_space<hbm>>, %arg5: memref<65536x128xf32, #tpu.memory_space<hbm>>, %arg6: memref<1024xi32, #tpu.memory_space<vmem>>, %arg7: memref<1024xi32, #tpu.memory_space<vmem>>, %arg8: memref<8x128xi32, #tpu.memory_space<vmem>>, %arg9: memref<6x128x128xf32, #tpu.memory_space<vmem>>, %arg10: memref<1025x128xf32, #tpu.memory_space<vmem_shared>>, %arg11: memref<!tpu.dma_semaphore, #tpu.memory_space<semaphore_mem>>, %arg12: memref<!tpu.dma_semaphore, #tpu.memory_space<semaphore_mem>>) attributes {dimension_semantics = [#tpu.dimension_semantics<core_parallel>, #tpu.dimension_semantics<subcore_parallel>], iteration_bounds = array<i64: 2, 16>, scalar_prefetch = 0 : i64, scratch_operands = 7 : i64, tpu.core_type = #tpu.core_type<sc_vector_subcore>, window_params = [{transform_indices = #map}, {transform_indices = #map}, {transform_indices = #map1}, {transform_indices = #map1}]} {
    %mul3A = arith.constant 2 : i32
    %mul3A_0 = arith.muli %arg1, %mul3A : i32
    %add3A = arith.addi %mul3A_0, %arg0 : i32
    %mul3A_1 = arith.constant 1024 : i32
    %mul3A_2 = arith.muli %add3A, %mul3A_1 : i32
    %eq3A = arith.constant 0 : i32
    %eq3A_3 = arith.cmpi eq, %arg1, %eq3A : i32
    %convert_element_type3A = arith.extui %eq3A_3 : i1 to i32
    %cond3A = arith.constant 0 : i32
    %cond3A_4 = arith.cmpi ne, %convert_element_type3A, %cond3A : i32
    scf.if %cond3A_4 {
      "tpu.region"() ({
        %run_scoped3A = tpu.sem_alloc : memref<!tpu.dma_semaphore, #tpu.memory_space<semaphore_mem>>
        tpu.enqueue_dma source(%arg4 : memref<1025x128xf32, #tpu.memory_space<hbm>>) target(%arg10 : memref<1025x128xf32, #tpu.memory_space<vmem_shared>>) target_semaphore(%run_scoped3A : memref<!tpu.dma_semaphore, #tpu.memory_space<semaphore_mem>>)
        tpu.wait_dma2 semaphore(%run_scoped3A : memref<!tpu.dma_semaphore, #tpu.memory_space<semaphore_mem>>) src(%arg4 : memref<1025x128xf32, #tpu.memory_space<hbm>>) dst(%arg10 : memref<1025x128xf32, #tpu.memory_space<vmem_shared>>)
        tpu.yield
      }) : () -> ()
    } else {
    }
    "tpu.region"() ({
      %run_scoped3A = tpu.sem_alloc : memref<!tpu.dma_semaphore, #tpu.memory_space<semaphore_mem>>
      %dma_start3A_425 = tpu.memref_slice %arg2[%mul3A_2] : memref<32768xi32, #tpu.memory_space<hbm>> -> memref<1024xi32, #tpu.memory_space<hbm>>
      %dma_start3A_426 = tpu.memref_slice %arg2[%mul3A_2] : memref<32768xi32, #tpu.memory_space<hbm>> -> memref<1024xi32, #tpu.memory_space<hbm>>
      tpu.enqueue_dma source(%dma_start3A_426 : memref<1024xi32, #tpu.memory_space<hbm>>) target(%arg6 : memref<1024xi32, #tpu.memory_space<vmem>>) target_semaphore(%run_scoped3A : memref<!tpu.dma_semaphore, #tpu.memory_space<semaphore_mem>>)
      %dma_wait3A_427 = tpu.memref_slice %arg2[%mul3A_2] : memref<32768xi32, #tpu.memory_space<hbm>> -> memref<1024xi32, #tpu.memory_space<hbm>>
      %dma_wait3A_428 = tpu.memref_slice %arg2[%mul3A_2] : memref<32768xi32, #tpu.memory_space<hbm>> -> memref<1024xi32, #tpu.memory_space<hbm>>
      tpu.wait_dma2 semaphore(%run_scoped3A : memref<!tpu.dma_semaphore, #tpu.memory_space<semaphore_mem>>) src(%dma_wait3A_428 : memref<1024xi32, #tpu.memory_space<hbm>>) dst(%arg6 : memref<1024xi32, #tpu.memory_space<vmem>>)
      tpu.yield
    }) : () -> ()
    "tpu.region"() ({
      %run_scoped3A = tpu.sem_alloc : memref<!tpu.dma_semaphore, #tpu.memory_space<semaphore_mem>>
      %dma_start3A_425 = tpu.memref_slice %arg3[%mul3A_2] : memref<32768xi32, #tpu.memory_space<hbm>> -> memref<1024xi32, #tpu.memory_space<hbm>>
      %dma_start3A_426 = tpu.memref_slice %arg3[%mul3A_2] : memref<32768xi32, #tpu.memory_space<hbm>> -> memref<1024xi32, #tpu.memory_space<hbm>>
      tpu.enqueue_dma source(%dma_start3A_426 : memref<1024xi32, #tpu.memory_space<hbm>>) target(%arg7 : memref<1024xi32, #tpu.memory_space<vmem>>) target_semaphore(%run_scoped3A : memref<!tpu.dma_semaphore, #tpu.memory_space<semaphore_mem>>)
      %dma_wait3A_427 = tpu.memref_slice %arg3[%mul3A_2] : memref<32768xi32, #tpu.memory_space<hbm>> -> memref<1024xi32, #tpu.memory_space<hbm>>
      %dma_wait3A_428 = tpu.memref_slice %arg3[%mul3A_2] : memref<32768xi32, #tpu.memory_space<hbm>> -> memref<1024xi32, #tpu.memory_space<hbm>>
      tpu.wait_dma2 semaphore(%run_scoped3A : memref<!tpu.dma_semaphore, #tpu.memory_space<semaphore_mem>>) src(%dma_wait3A_428 : memref<1024xi32, #tpu.memory_space<hbm>>) dst(%arg7 : memref<1024xi32, #tpu.memory_space<vmem>>)
      tpu.yield
    }) : () -> ()
    %broadcast_in_dim3A = arith.constant 1024 : i32
    %broadcast_in_dim3A_5 = vector.broadcast %broadcast_in_dim3A : i32 to vector<16xi32>
    %scan3A = arith.constant 0 : i32
    %scan3A_6 = arith.constant 0 : i32
    %scan3A_7 = arith.constant 64 : i32
    %scan3A_8 = arith.addi %scan3A_6, %scan3A_7 : i32
    %scan3A_9 = arith.constant 1 : i32
    scf.for %scan3A_425 = %scan3A_6 to %scan3A_8 step %scan3A_9  : i32 {
      %mul3A_426 = arith.constant 16 : i32
      %mul3A_427 = arith.muli %scan3A_425, %mul3A_426 : i32
      %get3A = arith.index_cast %mul3A_427 : i32 to index
      %get3A_428 = tpu.vector_load %arg6[%get3A] {strides = array<i32>} : memref<1024xi32, #tpu.memory_space<vmem>>, vector<16xi32>,
      %get3A_429 = vector.shape_cast %get3A_428 : vector<16xi32> to vector<16xi32>
      %and3A = arith.constant 65535 : i32
      %and3A_430 = vector.broadcast %and3A : i32 to vector<16xi32>
      %and3A_431 = arith.andi %get3A_429, %and3A_430 : vector<16xi32>
      %shift_right_logical3A = arith.constant 16 : i32
      %shift_right_logical3A_432 = vector.broadcast %shift_right_logical3A : i32 to vector<16xi32>
      %shift_right_logical3A_433 = arith.shrui %get3A_429, %shift_right_logical3A_432 : vector<16xi32>
      %get3A_434 = arith.index_cast %mul3A_427 : i32 to index
      %get3A_435 = tpu.vector_load %arg7[%get3A_434] {strides = array<i32>} : memref<1024xi32, #tpu.memory_space<vmem>>, vector<16xi32>,
      %get3A_436 = vector.shape_cast %get3A_435 : vector<16xi32> to vector<16xi32>
      %mul3A_437 = arith.constant 32 : i32
      %mul3A_438 = vector.broadcast %mul3A_437 : i32 to vector<16xi32>
      %mul3A_439 = arith.muli %and3A_431, %mul3A_438 : vector<16xi32>
      %add3A_440 = arith.addi %mul3A_439, %shift_right_logical3A_433 : vector<16xi32>
      %ne3A = arith.constant 0 : i32
      %ne3A_441 = vector.broadcast %ne3A : i32 to vector<16xi32>
      %ne3A_442 = arith.cmpi ne, %get3A_436, %ne3A_441 : vector<16xi32>
      %select_n3A = arith.select %ne3A_442, %add3A_440, %broadcast_in_dim3A_5 : vector<16xi1>, vector<16xi32>
      %jit3A = arith.constant 8 : i32
      %div3A = arith.divsi %scan3A_425, %jit3A : i32
      %sign3A = arith.constant 0 : i32
      %sign3A_443 = arith.cmpi sgt, %scan3A_425, %sign3A : i32
      %sign3A_444 = arith.extui %sign3A_443 : i1 to i32
      %sign3A_445 = arith.constant 0 : i32
      %sign3A_446 = arith.cmpi slt, %scan3A_425, %sign3A_445 : i32
      %sign3A_447 = arith.extui %sign3A_446 : i1 to i32
      %sign3A_448 = arith.subi %sign3A_444, %sign3A_447 : i32
      %sign3A_449 = arith.constant 0 : i32
      %sign3A_450 = arith.cmpi sgt, %jit3A, %sign3A_449 : i32
      %sign3A_451 = arith.extui %sign3A_450 : i1 to i32
      %sign3A_452 = arith.constant 0 : i32
      %sign3A_453 = arith.cmpi slt, %jit3A, %sign3A_452 : i32
      %sign3A_454 = arith.extui %sign3A_453 : i1 to i32
      %sign3A_455 = arith.subi %sign3A_451, %sign3A_454 : i32
      %ne3A_456 = arith.cmpi ne, %sign3A_448, %sign3A_455 : i32
      %rem3A = arith.remsi %scan3A_425, %jit3A : i32
      %ne3A_457 = arith.constant 0 : i32
      %ne3A_458 = arith.cmpi ne, %rem3A, %ne3A_457 : i32
      %and3A_459 = arith.andi %ne3A_456, %ne3A_458 : i1
      %sub3A = arith.constant 1 : i32
      %sub3A_460 = arith.subi %div3A, %sub3A : i32
      %select_n3A_461 = arith.select %and3A_459, %sub3A_460, %div3A : i32
      %jit3A_462 = arith.constant 8 : i32
      %eq3A_463 = arith.constant 0 : i32
      %eq3A_464 = arith.cmpi eq, %jit3A_462, %eq3A_463 : i32
      %jit3A_465 = arith.constant 1 : i32
      %select_n3A_466 = arith.select %eq3A_464, %jit3A_465, %jit3A_462 : i32
      %rem3A_467 = arith.remsi %scan3A_425, %select_n3A_466 : i32
      %ne3A_468 = arith.constant 0 : i32
      %ne3A_469 = arith.cmpi ne, %rem3A_467, %ne3A_468 : i32
      %lt3A = arith.constant 0 : i32
      %lt3A_470 = arith.cmpi slt, %rem3A_467, %lt3A : i32
      %lt3A_471 = arith.constant 0 : i32
      %lt3A_472 = arith.cmpi slt, %select_n3A_466, %lt3A_471 : i32
      %ne3A_473 = arith.xori %lt3A_470, %lt3A_472 : i1
      %and3A_474 = arith.andi %ne3A_473, %ne3A_469 : i1
      %add3A_475 = arith.addi %rem3A_467, %select_n3A_466 : i32
      %select_n3A_476 = arith.select %and3A_474, %add3A_475, %rem3A_467 : i32
      %mul3A_477 = arith.constant 16 : i32
      %mul3A_478 = arith.muli %select_n3A_476, %mul3A_477 : i32
      %swap3A = arith.index_cast %select_n3A_461 : i32 to index
      %swap3A_479 = arith.index_cast %mul3A_478 : i32 to index
      %swap3A_480 = tpu.vector_load %arg8[%swap3A, %swap3A_479] {strides = array<i32>} : memref<8x128xi32, #tpu.memory_space<vmem>>, vector<1x16xi32>,
      %swap3A_481 = vector.shape_cast %swap3A_480 : vector<1x16xi32> to vector<16xi32>
      %swap3A_482 = vector.shape_cast %select_n3A : vector<16xi32> to vector<1x16xi32>
      tpu.vector_store %arg8[%swap3A, %swap3A_479], %swap3A_482 {strides = array<i32>} : memref<8x128xi32, #tpu.memory_space<vmem>>, vector<1x16xi32>,
    }
    %scan3A_10 = arith.constant 64 : i32
    %barrier3A = arith.constant 0 : index
    tpu.barrier barrier_id(%barrier3A)
    %dma_start3A = arith.constant 0 : i32
    %dma_start3A_11 = arith.constant 0 : i32
    %dma_start3A_12 = arith.constant 0 : i32
    %dma_start3A_13 = arith.constant 0 : i32
    %dma_start3A_14 = tpu.memref_slice %arg9[%dma_start3A_11, %dma_start3A_12, %dma_start3A_13] : memref<6x128x128xf32, #tpu.memory_space<vmem>> -> memref<1x128x128xf32, #tpu.memory_space<vmem>>
    %dma_start3A_15 = tpu.memref_squeeze %dma_start3A_14 : memref<1x128x128xf32, #tpu.memory_space<vmem>> -> memref<128x128xf32, #tpu.memory_space<vmem>>
    %dma_start3A_16 = arith.constant 0 : i32
    %dma_start3A_17 = tpu.memref_slice %arg8[%dma_start3A, %dma_start3A_16] : memref<8x128xi32, #tpu.memory_space<vmem>> -> memref<1x128xi32, #tpu.memory_space<vmem>>
    %dma_start3A_18 = tpu.memref_squeeze %dma_start3A_17 : memref<1x128xi32, #tpu.memory_space<vmem>> -> memref<128xi32, #tpu.memory_space<vmem>>
    %dma_start3A_19 = arith.constant 0 : i32
    %dma_start3A_20 = arith.constant 0 : i32
    %dma_start3A_21 = tpu.memref_slice %arg10[%dma_start3A_19, %dma_start3A_20] : memref<1025x128xf32, #tpu.memory_space<vmem_shared>> -> memref<1025x128xf32, #tpu.memory_space<vmem_shared>>
    tpu.enqueue_indirect_dma source(%dma_start3A_21 : memref<1025x128xf32, #tpu.memory_space<vmem_shared>>) target(%dma_start3A_15 : memref<128x128xf32, #tpu.memory_space<vmem>>) offsets(%dma_start3A_18 : memref<128xi32, #tpu.memory_space<vmem>>) semaphore(%arg11 : memref<!tpu.dma_semaphore, #tpu.memory_space<semaphore_mem>>)
    %dma_start3A_22 = arith.constant 1 : i32
    %dma_start3A_23 = arith.constant 1 : i32
    %dma_start3A_24 = arith.constant 0 : i32
    %dma_start3A_25 = arith.constant 0 : i32
    %dma_start3A_26 = tpu.memref_slice %arg9[%dma_start3A_23, %dma_start3A_24, %dma_start3A_25] : memref<6x128x128xf32, #tpu.memory_space<vmem>> -> memref<1x128x128xf32, #tpu.memory_space<vmem>>
    %dma_start3A_27 = tpu.memref_squeeze %dma_start3A_26 : memref<1x128x128xf32, #tpu.memory_space<vmem>> -> memref<128x128xf32, #tpu.memory_space<vmem>>
    %dma_start3A_28 = arith.constant 0 : i32
    %dma_start3A_29 = tpu.memref_slice %arg8[%dma_start3A_22, %dma_start3A_28] : memref<8x128xi32, #tpu.memory_space<vmem>> -> memref<1x128xi32, #tpu.memory_space<vmem>>
    %dma_start3A_30 = tpu.memref_squeeze %dma_start3A_29 : memref<1x128xi32, #tpu.memory_space<vmem>> -> memref<128xi32, #tpu.memory_space<vmem>>
    %dma_start3A_31 = arith.constant 0 : i32
    %dma_start3A_32 = arith.constant 0 : i32
    %dma_start3A_33 = tpu.memref_slice %arg10[%dma_start3A_31, %dma_start3A_32] : memref<1025x128xf32, #tpu.memory_space<vmem_shared>> -> memref<1025x128xf32, #tpu.memory_space<vmem_shared>>
    tpu.enqueue_indirect_dma source(%dma_start3A_33 : memref<1025x128xf32, #tpu.memory_space<vmem_shared>>) target(%dma_start3A_27 : memref<128x128xf32, #tpu.memory_space<vmem>>) offsets(%dma_start3A_30 : memref<128xi32, #tpu.memory_space<vmem>>) semaphore(%arg11 : memref<!tpu.dma_semaphore, #tpu.memory_space<semaphore_mem>>)
    %dma_start3A_34 = arith.constant 2 : i32
    %dma_start3A_35 = arith.constant 2 : i32
    %dma_start3A_36 = arith.constant 0 : i32
    %dma_start3A_37 = arith.constant 0 : i32
    %dma_start3A_38 = tpu.memref_slice %arg9[%dma_start3A_35, %dma_start3A_36, %dma_start3A_37] : memref<6x128x128xf32, #tpu.memory_space<vmem>> -> memref<1x128x128xf32, #tpu.memory_space<vmem>>
    %dma_start3A_39 = tpu.memref_squeeze %dma_start3A_38 : memref<1x128x128xf32, #tpu.memory_space<vmem>> -> memref<128x128xf32, #tpu.memory_space<vmem>>
    %dma_start3A_40 = arith.constant 0 : i32
    %dma_start3A_41 = tpu.memref_slice %arg8[%dma_start3A_34, %dma_start3A_40] : memref<8x128xi32, #tpu.memory_space<vmem>> -> memref<1x128xi32, #tpu.memory_space<vmem>>
    %dma_start3A_42 = tpu.memref_squeeze %dma_start3A_41 : memref<1x128xi32, #tpu.memory_space<vmem>> -> memref<128xi32, #tpu.memory_space<vmem>>
    %dma_start3A_43 = arith.constant 0 : i32
    %dma_start3A_44 = arith.constant 0 : i32
    %dma_start3A_45 = tpu.memref_slice %arg10[%dma_start3A_43, %dma_start3A_44] : memref<1025x128xf32, #tpu.memory_space<vmem_shared>> -> memref<1025x128xf32, #tpu.memory_space<vmem_shared>>
    tpu.enqueue_indirect_dma source(%dma_start3A_45 : memref<1025x128xf32, #tpu.memory_space<vmem_shared>>) target(%dma_start3A_39 : memref<128x128xf32, #tpu.memory_space<vmem>>) offsets(%dma_start3A_42 : memref<128xi32, #tpu.memory_space<vmem>>) semaphore(%arg11 : memref<!tpu.dma_semaphore, #tpu.memory_space<semaphore_mem>>)
    %dma_start3A_46 = arith.constant 3 : i32
    %dma_start3A_47 = arith.constant 3 : i32
    %dma_start3A_48 = arith.constant 0 : i32
    %dma_start3A_49 = arith.constant 0 : i32
    %dma_start3A_50 = tpu.memref_slice %arg9[%dma_start3A_47, %dma_start3A_48, %dma_start3A_49] : memref<6x128x128xf32, #tpu.memory_space<vmem>> -> memref<1x128x128xf32, #tpu.memory_space<vmem>>
    %dma_start3A_51 = tpu.memref_squeeze %dma_start3A_50 : memref<1x128x128xf32, #tpu.memory_space<vmem>> -> memref<128x128xf32, #tpu.memory_space<vmem>>
    %dma_start3A_52 = arith.constant 0 : i32
    %dma_start3A_53 = tpu.memref_slice %arg8[%dma_start3A_46, %dma_start3A_52] : memref<8x128xi32, #tpu.memory_space<vmem>> -> memref<1x128xi32, #tpu.memory_space<vmem>>
    %dma_start3A_54 = tpu.memref_squeeze %dma_start3A_53 : memref<1x128xi32, #tpu.memory_space<vmem>> -> memref<128xi32, #tpu.memory_space<vmem>>
    %dma_start3A_55 = arith.constant 0 : i32
    %dma_start3A_56 = arith.constant 0 : i32
    %dma_start3A_57 = tpu.memref_slice %arg10[%dma_start3A_55, %dma_start3A_56] : memref<1025x128xf32, #tpu.memory_space<vmem_shared>> -> memref<1025x128xf32, #tpu.memory_space<vmem_shared>>
    tpu.enqueue_indirect_dma source(%dma_start3A_57 : memref<1025x128xf32, #tpu.memory_space<vmem_shared>>) target(%dma_start3A_51 : memref<128x128xf32, #tpu.memory_space<vmem>>) offsets(%dma_start3A_54 : memref<128xi32, #tpu.memory_space<vmem>>) semaphore(%arg11 : memref<!tpu.dma_semaphore, #tpu.memory_space<semaphore_mem>>)
    %dma_start3A_58 = arith.constant 4 : i32
    %dma_start3A_59 = arith.constant 4 : i32
    %dma_start3A_60 = arith.constant 0 : i32
    %dma_start3A_61 = arith.constant 0 : i32
    %dma_start3A_62 = tpu.memref_slice %arg9[%dma_start3A_59, %dma_start3A_60, %dma_start3A_61] : memref<6x128x128xf32, #tpu.memory_space<vmem>> -> memref<1x128x128xf32, #tpu.memory_space<vmem>>
    %dma_start3A_63 = tpu.memref_squeeze %dma_start3A_62 : memref<1x128x128xf32, #tpu.memory_space<vmem>> -> memref<128x128xf32, #tpu.memory_space<vmem>>
    %dma_start3A_64 = arith.constant 0 : i32
    %dma_start3A_65 = tpu.memref_slice %arg8[%dma_start3A_58, %dma_start3A_64] : memref<8x128xi32, #tpu.memory_space<vmem>> -> memref<1x128xi32, #tpu.memory_space<vmem>>
    %dma_start3A_66 = tpu.memref_squeeze %dma_start3A_65 : memref<1x128xi32, #tpu.memory_space<vmem>> -> memref<128xi32, #tpu.memory_space<vmem>>
    %dma_start3A_67 = arith.constant 0 : i32
    %dma_start3A_68 = arith.constant 0 : i32
    %dma_start3A_69 = tpu.memref_slice %arg10[%dma_start3A_67, %dma_start3A_68] : memref<1025x128xf32, #tpu.memory_space<vmem_shared>> -> memref<1025x128xf32, #tpu.memory_space<vmem_shared>>
    tpu.enqueue_indirect_dma source(%dma_start3A_69 : memref<1025x128xf32, #tpu.memory_space<vmem_shared>>) target(%dma_start3A_63 : memref<128x128xf32, #tpu.memory_space<vmem>>) offsets(%dma_start3A_66 : memref<128xi32, #tpu.memory_space<vmem>>) semaphore(%arg11 : memref<!tpu.dma_semaphore, #tpu.memory_space<semaphore_mem>>)
    %dma_start3A_70 = arith.constant 5 : i32
    %dma_start3A_71 = arith.constant 5 : i32
    %dma_start3A_72 = arith.constant 0 : i32
    %dma_start3A_73 = arith.constant 0 : i32
    %dma_start3A_74 = tpu.memref_slice %arg9[%dma_start3A_71, %dma_start3A_72, %dma_start3A_73] : memref<6x128x128xf32, #tpu.memory_space<vmem>> -> memref<1x128x128xf32, #tpu.memory_space<vmem>>
    %dma_start3A_75 = tpu.memref_squeeze %dma_start3A_74 : memref<1x128x128xf32, #tpu.memory_space<vmem>> -> memref<128x128xf32, #tpu.memory_space<vmem>>
    %dma_start3A_76 = arith.constant 0 : i32
    %dma_start3A_77 = tpu.memref_slice %arg8[%dma_start3A_70, %dma_start3A_76] : memref<8x128xi32, #tpu.memory_space<vmem>> -> memref<1x128xi32, #tpu.memory_space<vmem>>
    %dma_start3A_78 = tpu.memref_squeeze %dma_start3A_77 : memref<1x128xi32, #tpu.memory_space<vmem>> -> memref<128xi32, #tpu.memory_space<vmem>>
    %dma_start3A_79 = arith.constant 0 : i32
    %dma_start3A_80 = arith.constant 0 : i32
    %dma_start3A_81 = tpu.memref_slice %arg10[%dma_start3A_79, %dma_start3A_80] : memref<1025x128xf32, #tpu.memory_space<vmem_shared>> -> memref<1025x128xf32, #tpu.memory_space<vmem_shared>>
    tpu.enqueue_indirect_dma source(%dma_start3A_81 : memref<1025x128xf32, #tpu.memory_space<vmem_shared>>) target(%dma_start3A_75 : memref<128x128xf32, #tpu.memory_space<vmem>>) offsets(%dma_start3A_78 : memref<128xi32, #tpu.memory_space<vmem>>) semaphore(%arg11 : memref<!tpu.dma_semaphore, #tpu.memory_space<semaphore_mem>>)
    %dma_wait3A = arith.constant 0 : i32
    %dma_wait3A_82 = arith.constant 0 : i32
    %dma_wait3A_83 = arith.constant 0 : i32
    %dma_wait3A_84 = arith.constant 0 : i32
    %dma_wait3A_85 = tpu.memref_slice %arg9[%dma_wait3A_82, %dma_wait3A_83, %dma_wait3A_84] : memref<6x128x128xf32, #tpu.memory_space<vmem>> -> memref<1x128x128xf32, #tpu.memory_space<vmem>>
    %dma_wait3A_86 = tpu.memref_squeeze %dma_wait3A_85 : memref<1x128x128xf32, #tpu.memory_space<vmem>> -> memref<128x128xf32, #tpu.memory_space<vmem>>
    %dma_wait3A_87 = arith.constant 0 : i32
    %dma_wait3A_88 = tpu.memref_slice %arg8[%dma_wait3A, %dma_wait3A_87] : memref<8x128xi32, #tpu.memory_space<vmem>> -> memref<1x128xi32, #tpu.memory_space<vmem>>
    %dma_wait3A_89 = tpu.memref_squeeze %dma_wait3A_88 : memref<1x128xi32, #tpu.memory_space<vmem>> -> memref<128xi32, #tpu.memory_space<vmem>>
    %dma_wait3A_90 = arith.constant 0 : i32
    %dma_wait3A_91 = arith.constant 0 : i32
    %dma_wait3A_92 = tpu.memref_slice %arg10[%dma_wait3A_90, %dma_wait3A_91] : memref<1025x128xf32, #tpu.memory_space<vmem_shared>> -> memref<1025x128xf32, #tpu.memory_space<vmem_shared>>
    tpu.wait_indirect_dma semaphore(%arg11 : memref<!tpu.dma_semaphore, #tpu.memory_space<semaphore_mem>>) src(%dma_wait3A_92 : memref<1025x128xf32, #tpu.memory_space<vmem_shared>>) dst(%dma_wait3A_86 : memref<128x128xf32, #tpu.memory_space<vmem>>)
    %add3A_93 = arith.constant 0 : i32
    %add3A_94 = arith.addi %mul3A_2, %add3A_93 : i32
    %dma_start3A_95 = arith.constant 0 : i32
    %dma_start3A_96 = arith.constant 0 : i32
    %dma_start3A_97 = arith.constant 0 : i32
    %dma_start3A_98 = tpu.memref_slice %arg9[%dma_start3A_95, %dma_start3A_96, %dma_start3A_97] : memref<6x128x128xf32, #tpu.memory_space<vmem>> -> memref<1x128x128xf32, #tpu.memory_space<vmem>>
    %dma_start3A_99 = tpu.memref_squeeze %dma_start3A_98 : memref<1x128x128xf32, #tpu.memory_space<vmem>> -> memref<128x128xf32, #tpu.memory_space<vmem>>
    %dma_start3A_100 = arith.constant 0 : i32
    %dma_start3A_101 = tpu.memref_slice %arg5[%add3A_94, %dma_start3A_100] : memref<65536x128xf32, #tpu.memory_space<hbm>> -> memref<128x128xf32, #tpu.memory_space<hbm>>
    %dma_start3A_102 = arith.constant 0 : i32
    %dma_start3A_103 = tpu.memref_slice %arg5[%add3A_94, %dma_start3A_102] : memref<65536x128xf32, #tpu.memory_space<hbm>> -> memref<128x128xf32, #tpu.memory_space<hbm>>
    %dma_start3A_104 = arith.constant 0 : i32
    %dma_start3A_105 = arith.constant 0 : i32
    %dma_start3A_106 = tpu.memref_slice %arg9[%dma_start3A_95, %dma_start3A_104, %dma_start3A_105] : memref<6x128x128xf32, #tpu.memory_space<vmem>> -> memref<1x128x128xf32, #tpu.memory_space<vmem>>
    %dma_start3A_107 = tpu.memref_squeeze %dma_start3A_106 : memref<1x128x128xf32, #tpu.memory_space<vmem>> -> memref<128x128xf32, #tpu.memory_space<vmem>>
    tpu.enqueue_dma source(%dma_start3A_107 : memref<128x128xf32, #tpu.memory_space<vmem>>) target(%dma_start3A_103 : memref<128x128xf32, #tpu.memory_space<hbm>>) target_semaphore(%arg12 : memref<!tpu.dma_semaphore, #tpu.memory_space<semaphore_mem>>)
    %dma_wait3A_108 = arith.constant 0 : i32
    %dma_wait3A_109 = arith.constant 0 : i32
    %dma_wait3A_110 = arith.constant 0 : i32
    %dma_wait3A_111 = tpu.memref_slice %arg9[%dma_wait3A_108, %dma_wait3A_109, %dma_wait3A_110] : memref<6x128x128xf32, #tpu.memory_space<vmem>> -> memref<1x128x128xf32, #tpu.memory_space<vmem>>
    %dma_wait3A_112 = tpu.memref_squeeze %dma_wait3A_111 : memref<1x128x128xf32, #tpu.memory_space<vmem>> -> memref<128x128xf32, #tpu.memory_space<vmem>>
    %dma_wait3A_113 = arith.constant 0 : i32
    %dma_wait3A_114 = tpu.memref_slice %arg5[%add3A_94, %dma_wait3A_113] : memref<65536x128xf32, #tpu.memory_space<hbm>> -> memref<128x128xf32, #tpu.memory_space<hbm>>
    %dma_wait3A_115 = arith.constant 0 : i32
    %dma_wait3A_116 = tpu.memref_slice %arg5[%add3A_94, %dma_wait3A_115] : memref<65536x128xf32, #tpu.memory_space<hbm>> -> memref<128x128xf32, #tpu.memory_space<hbm>>
    %dma_wait3A_117 = arith.constant 0 : i32
    %dma_wait3A_118 = arith.constant 0 : i32
    %dma_wait3A_119 = tpu.memref_slice %arg9[%dma_wait3A_108, %dma_wait3A_117, %dma_wait3A_118] : memref<6x128x128xf32, #tpu.memory_space<vmem>> -> memref<1x128x128xf32, #tpu.memory_space<vmem>>
    %dma_wait3A_120 = tpu.memref_squeeze %dma_wait3A_119 : memref<1x128x128xf32, #tpu.memory_space<vmem>> -> memref<128x128xf32, #tpu.memory_space<vmem>>
    tpu.wait_dma2 semaphore(%arg12 : memref<!tpu.dma_semaphore, #tpu.memory_space<semaphore_mem>>) src(%dma_wait3A_120 : memref<128x128xf32, #tpu.memory_space<vmem>>) dst(%dma_wait3A_116 : memref<128x128xf32, #tpu.memory_space<hbm>>)
    %dma_start3A_121 = arith.constant 6 : i32
    %dma_start3A_122 = arith.constant 0 : i32
    %dma_start3A_123 = arith.constant 0 : i32
    %dma_start3A_124 = arith.constant 0 : i32
    %dma_start3A_125 = tpu.memref_slice %arg9[%dma_start3A_122, %dma_start3A_123, %dma_start3A_124] : memref<6x128x128xf32, #tpu.memory_space<vmem>> -> memref<1x128x128xf32, #tpu.memory_space<vmem>>
    %dma_start3A_126 = tpu.memref_squeeze %dma_start3A_125 : memref<1x128x128xf32, #tpu.memory_space<vmem>> -> memref<128x128xf32, #tpu.memory_space<vmem>>
    %dma_start3A_127 = arith.constant 0 : i32
    %dma_start3A_128 = tpu.memref_slice %arg8[%dma_start3A_121, %dma_start3A_127] : memref<8x128xi32, #tpu.memory_space<vmem>> -> memref<1x128xi32, #tpu.memory_space<vmem>>
    %dma_start3A_129 = tpu.memref_squeeze %dma_start3A_128 : memref<1x128xi32, #tpu.memory_space<vmem>> -> memref<128xi32, #tpu.memory_space<vmem>>
    %dma_start3A_130 = arith.constant 0 : i32
    %dma_start3A_131 = arith.constant 0 : i32
    %dma_start3A_132 = tpu.memref_slice %arg10[%dma_start3A_130, %dma_start3A_131] : memref<1025x128xf32, #tpu.memory_space<vmem_shared>> -> memref<1025x128xf32, #tpu.memory_space<vmem_shared>>
    tpu.enqueue_indirect_dma source(%dma_start3A_132 : memref<1025x128xf32, #tpu.memory_space<vmem_shared>>) target(%dma_start3A_126 : memref<128x128xf32, #tpu.memory_space<vmem>>) offsets(%dma_start3A_129 : memref<128xi32, #tpu.memory_space<vmem>>) semaphore(%arg11 : memref<!tpu.dma_semaphore, #tpu.memory_space<semaphore_mem>>)
    %dma_wait3A_133 = arith.constant 1 : i32
    %dma_wait3A_134 = arith.constant 1 : i32
    %dma_wait3A_135 = arith.constant 0 : i32
    %dma_wait3A_136 = arith.constant 0 : i32
    %dma_wait3A_137 = tpu.memref_slice %arg9[%dma_wait3A_134, %dma_wait3A_135, %dma_wait3A_136] : memref<6x128x128xf32, #tpu.memory_space<vmem>> -> memref<1x128x128xf32, #tpu.memory_space<vmem>>
    %dma_wait3A_138 = tpu.memref_squeeze %dma_wait3A_137 : memref<1x128x128xf32, #tpu.memory_space<vmem>> -> memref<128x128xf32, #tpu.memory_space<vmem>>
    %dma_wait3A_139 = arith.constant 0 : i32
    %dma_wait3A_140 = tpu.memref_slice %arg8[%dma_wait3A_133, %dma_wait3A_139] : memref<8x128xi32, #tpu.memory_space<vmem>> -> memref<1x128xi32, #tpu.memory_space<vmem>>
    %dma_wait3A_141 = tpu.memref_squeeze %dma_wait3A_140 : memref<1x128xi32, #tpu.memory_space<vmem>> -> memref<128xi32, #tpu.memory_space<vmem>>
    %dma_wait3A_142 = arith.constant 0 : i32
    %dma_wait3A_143 = arith.constant 0 : i32
    %dma_wait3A_144 = tpu.memref_slice %arg10[%dma_wait3A_142, %dma_wait3A_143] : memref<1025x128xf32, #tpu.memory_space<vmem_shared>> -> memref<1025x128xf32, #tpu.memory_space<vmem_shared>>
    tpu.wait_indirect_dma semaphore(%arg11 : memref<!tpu.dma_semaphore, #tpu.memory_space<semaphore_mem>>) src(%dma_wait3A_144 : memref<1025x128xf32, #tpu.memory_space<vmem_shared>>) dst(%dma_wait3A_138 : memref<128x128xf32, #tpu.memory_space<vmem>>)
    %add3A_145 = arith.constant 128 : i32
    %add3A_146 = arith.addi %mul3A_2, %add3A_145 : i32
    %dma_start3A_147 = arith.constant 1 : i32
    %dma_start3A_148 = arith.constant 0 : i32
    %dma_start3A_149 = arith.constant 0 : i32
    %dma_start3A_150 = tpu.memref_slice %arg9[%dma_start3A_147, %dma_start3A_148, %dma_start3A_149] : memref<6x128x128xf32, #tpu.memory_space<vmem>> -> memref<1x128x128xf32, #tpu.memory_space<vmem>>
    %dma_start3A_151 = tpu.memref_squeeze %dma_start3A_150 : memref<1x128x128xf32, #tpu.memory_space<vmem>> -> memref<128x128xf32, #tpu.memory_space<vmem>>
    %dma_start3A_152 = arith.constant 0 : i32
    %dma_start3A_153 = tpu.memref_slice %arg5[%add3A_146, %dma_start3A_152] : memref<65536x128xf32, #tpu.memory_space<hbm>> -> memref<128x128xf32, #tpu.memory_space<hbm>>
    %dma_start3A_154 = arith.constant 0 : i32
    %dma_start3A_155 = tpu.memref_slice %arg5[%add3A_146, %dma_start3A_154] : memref<65536x128xf32, #tpu.memory_space<hbm>> -> memref<128x128xf32, #tpu.memory_space<hbm>>
    %dma_start3A_156 = arith.constant 0 : i32
    %dma_start3A_157 = arith.constant 0 : i32
    %dma_start3A_158 = tpu.memref_slice %arg9[%dma_start3A_147, %dma_start3A_156, %dma_start3A_157] : memref<6x128x128xf32, #tpu.memory_space<vmem>> -> memref<1x128x128xf32, #tpu.memory_space<vmem>>
    %dma_start3A_159 = tpu.memref_squeeze %dma_start3A_158 : memref<1x128x128xf32, #tpu.memory_space<vmem>> -> memref<128x128xf32, #tpu.memory_space<vmem>>
    tpu.enqueue_dma source(%dma_start3A_159 : memref<128x128xf32, #tpu.memory_space<vmem>>) target(%dma_start3A_155 : memref<128x128xf32, #tpu.memory_space<hbm>>) target_semaphore(%arg12 : memref<!tpu.dma_semaphore, #tpu.memory_space<semaphore_mem>>)
    %dma_wait3A_160 = arith.constant 1 : i32
    %dma_wait3A_161 = arith.constant 0 : i32
    %dma_wait3A_162 = arith.constant 0 : i32
    %dma_wait3A_163 = tpu.memref_slice %arg9[%dma_wait3A_160, %dma_wait3A_161, %dma_wait3A_162] : memref<6x128x128xf32, #tpu.memory_space<vmem>> -> memref<1x128x128xf32, #tpu.memory_space<vmem>>
    %dma_wait3A_164 = tpu.memref_squeeze %dma_wait3A_163 : memref<1x128x128xf32, #tpu.memory_space<vmem>> -> memref<128x128xf32, #tpu.memory_space<vmem>>
    %dma_wait3A_165 = arith.constant 0 : i32
    %dma_wait3A_166 = tpu.memref_slice %arg5[%add3A_146, %dma_wait3A_165] : memref<65536x128xf32, #tpu.memory_space<hbm>> -> memref<128x128xf32, #tpu.memory_space<hbm>>
    %dma_wait3A_167 = arith.constant 0 : i32
    %dma_wait3A_168 = tpu.memref_slice %arg5[%add3A_146, %dma_wait3A_167] : memref<65536x128xf32, #tpu.memory_space<hbm>> -> memref<128x128xf32, #tpu.memory_space<hbm>>
    %dma_wait3A_169 = arith.constant 0 : i32
    %dma_wait3A_170 = arith.constant 0 : i32
    %dma_wait3A_171 = tpu.memref_slice %arg9[%dma_wait3A_160, %dma_wait3A_169, %dma_wait3A_170] : memref<6x128x128xf32, #tpu.memory_space<vmem>> -> memref<1x128x128xf32, #tpu.memory_space<vmem>>
    %dma_wait3A_172 = tpu.memref_squeeze %dma_wait3A_171 : memref<1x128x128xf32, #tpu.memory_space<vmem>> -> memref<128x128xf32, #tpu.memory_space<vmem>>
    tpu.wait_dma2 semaphore(%arg12 : memref<!tpu.dma_semaphore, #tpu.memory_space<semaphore_mem>>) src(%dma_wait3A_172 : memref<128x128xf32, #tpu.memory_space<vmem>>) dst(%dma_wait3A_168 : memref<128x128xf32, #tpu.memory_space<hbm>>)
    %dma_start3A_173 = arith.constant 7 : i32
    %dma_start3A_174 = arith.constant 1 : i32
    %dma_start3A_175 = arith.constant 0 : i32
    %dma_start3A_176 = arith.constant 0 : i32
    %dma_start3A_177 = tpu.memref_slice %arg9[%dma_start3A_174, %dma_start3A_175, %dma_start3A_176] : memref<6x128x128xf32, #tpu.memory_space<vmem>> -> memref<1x128x128xf32, #tpu.memory_space<vmem>>
    %dma_start3A_178 = tpu.memref_squeeze %dma_start3A_177 : memref<1x128x128xf32, #tpu.memory_space<vmem>> -> memref<128x128xf32, #tpu.memory_space<vmem>>
    %dma_start3A_179 = arith.constant 0 : i32
    %dma_start3A_180 = tpu.memref_slice %arg8[%dma_start3A_173, %dma_start3A_179] : memref<8x128xi32, #tpu.memory_space<vmem>> -> memref<1x128xi32, #tpu.memory_space<vmem>>
    %dma_start3A_181 = tpu.memref_squeeze %dma_start3A_180 : memref<1x128xi32, #tpu.memory_space<vmem>> -> memref<128xi32, #tpu.memory_space<vmem>>
    %dma_start3A_182 = arith.constant 0 : i32
    %dma_start3A_183 = arith.constant 0 : i32
    %dma_start3A_184 = tpu.memref_slice %arg10[%dma_start3A_182, %dma_start3A_183] : memref<1025x128xf32, #tpu.memory_space<vmem_shared>> -> memref<1025x128xf32, #tpu.memory_space<vmem_shared>>
    tpu.enqueue_indirect_dma source(%dma_start3A_184 : memref<1025x128xf32, #tpu.memory_space<vmem_shared>>) target(%dma_start3A_178 : memref<128x128xf32, #tpu.memory_space<vmem>>) offsets(%dma_start3A_181 : memref<128xi32, #tpu.memory_space<vmem>>) semaphore(%arg11 : memref<!tpu.dma_semaphore, #tpu.memory_space<semaphore_mem>>)
    %dma_wait3A_185 = arith.constant 2 : i32
    %dma_wait3A_186 = arith.constant 2 : i32
    %dma_wait3A_187 = arith.constant 0 : i32
    %dma_wait3A_188 = arith.constant 0 : i32
    %dma_wait3A_189 = tpu.memref_slice %arg9[%dma_wait3A_186, %dma_wait3A_187, %dma_wait3A_188] : memref<6x128x128xf32, #tpu.memory_space<vmem>> -> memref<1x128x128xf32, #tpu.memory_space<vmem>>
    %dma_wait3A_190 = tpu.memref_squeeze %dma_wait3A_189 : memref<1x128x128xf32, #tpu.memory_space<vmem>> -> memref<128x128xf32, #tpu.memory_space<vmem>>
    %dma_wait3A_191 = arith.constant 0 : i32
    %dma_wait3A_192 = tpu.memref_slice %arg8[%dma_wait3A_185, %dma_wait3A_191] : memref<8x128xi32, #tpu.memory_space<vmem>> -> memref<1x128xi32, #tpu.memory_space<vmem>>
    %dma_wait3A_193 = tpu.memref_squeeze %dma_wait3A_192 : memref<1x128xi32, #tpu.memory_space<vmem>> -> memref<128xi32, #tpu.memory_space<vmem>>
    %dma_wait3A_194 = arith.constant 0 : i32
    %dma_wait3A_195 = arith.constant 0 : i32
    %dma_wait3A_196 = tpu.memref_slice %arg10[%dma_wait3A_194, %dma_wait3A_195] : memref<1025x128xf32, #tpu.memory_space<vmem_shared>> -> memref<1025x128xf32, #tpu.memory_space<vmem_shared>>
    tpu.wait_indirect_dma semaphore(%arg11 : memref<!tpu.dma_semaphore, #tpu.memory_space<semaphore_mem>>) src(%dma_wait3A_196 : memref<1025x128xf32, #tpu.memory_space<vmem_shared>>) dst(%dma_wait3A_190 : memref<128x128xf32, #tpu.memory_space<vmem>>)
    %add3A_197 = arith.constant 256 : i32
    %add3A_198 = arith.addi %mul3A_2, %add3A_197 : i32
    %dma_start3A_199 = arith.constant 2 : i32
    %dma_start3A_200 = arith.constant 0 : i32
    %dma_start3A_201 = arith.constant 0 : i32
    %dma_start3A_202 = tpu.memref_slice %arg9[%dma_start3A_199, %dma_start3A_200, %dma_start3A_201] : memref<6x128x128xf32, #tpu.memory_space<vmem>> -> memref<1x128x128xf32, #tpu.memory_space<vmem>>
    %dma_start3A_203 = tpu.memref_squeeze %dma_start3A_202 : memref<1x128x128xf32, #tpu.memory_space<vmem>> -> memref<128x128xf32, #tpu.memory_space<vmem>>
    %dma_start3A_204 = arith.constant 0 : i32
    %dma_start3A_205 = tpu.memref_slice %arg5[%add3A_198, %dma_start3A_204] : memref<65536x128xf32, #tpu.memory_space<hbm>> -> memref<128x128xf32, #tpu.memory_space<hbm>>
    %dma_start3A_206 = arith.constant 0 : i32
    %dma_start3A_207 = tpu.memref_slice %arg5[%add3A_198, %dma_start3A_206] : memref<65536x128xf32, #tpu.memory_space<hbm>> -> memref<128x128xf32, #tpu.memory_space<hbm>>
    %dma_start3A_208 = arith.constant 0 : i32
    %dma_start3A_209 = arith.constant 0 : i32
    %dma_start3A_210 = tpu.memref_slice %arg9[%dma_start3A_199, %dma_start3A_208, %dma_start3A_209] : memref<6x128x128xf32, #tpu.memory_space<vmem>> -> memref<1x128x128xf32, #tpu.memory_space<vmem>>
    %dma_start3A_211 = tpu.memref_squeeze %dma_start3A_210 : memref<1x128x128xf32, #tpu.memory_space<vmem>> -> memref<128x128xf32, #tpu.memory_space<vmem>>
    tpu.enqueue_dma source(%dma_start3A_211 : memref<128x128xf32, #tpu.memory_space<vmem>>) target(%dma_start3A_207 : memref<128x128xf32, #tpu.memory_space<hbm>>) target_semaphore(%arg12 : memref<!tpu.dma_semaphore, #tpu.memory_space<semaphore_mem>>)
    %dma_wait3A_212 = arith.constant 3 : i32
    %dma_wait3A_213 = arith.constant 3 : i32
    %dma_wait3A_214 = arith.constant 0 : i32
    %dma_wait3A_215 = arith.constant 0 : i32
    %dma_wait3A_216 = tpu.memref_slice %arg9[%dma_wait3A_213, %dma_wait3A_214, %dma_wait3A_215] : memref<6x128x128xf32, #tpu.memory_space<vmem>> -> memref<1x128x128xf32, #tpu.memory_space<vmem>>
    %dma_wait3A_217 = tpu.memref_squeeze %dma_wait3A_216 : memref<1x128x128xf32, #tpu.memory_space<vmem>> -> memref<128x128xf32, #tpu.memory_space<vmem>>
    %dma_wait3A_218 = arith.constant 0 : i32
    %dma_wait3A_219 = tpu.memref_slice %arg8[%dma_wait3A_212, %dma_wait3A_218] : memref<8x128xi32, #tpu.memory_space<vmem>> -> memref<1x128xi32, #tpu.memory_space<vmem>>
    %dma_wait3A_220 = tpu.memref_squeeze %dma_wait3A_219 : memref<1x128xi32, #tpu.memory_space<vmem>> -> memref<128xi32, #tpu.memory_space<vmem>>
    %dma_wait3A_221 = arith.constant 0 : i32
    %dma_wait3A_222 = arith.constant 0 : i32
    %dma_wait3A_223 = tpu.memref_slice %arg10[%dma_wait3A_221, %dma_wait3A_222] : memref<1025x128xf32, #tpu.memory_space<vmem_shared>> -> memref<1025x128xf32, #tpu.memory_space<vmem_shared>>
    tpu.wait_indirect_dma semaphore(%arg11 : memref<!tpu.dma_semaphore, #tpu.memory_space<semaphore_mem>>) src(%dma_wait3A_223 : memref<1025x128xf32, #tpu.memory_space<vmem_shared>>) dst(%dma_wait3A_217 : memref<128x128xf32, #tpu.memory_space<vmem>>)
    %add3A_224 = arith.constant 384 : i32
    %add3A_225 = arith.addi %mul3A_2, %add3A_224 : i32
    %dma_start3A_226 = arith.constant 3 : i32
    %dma_start3A_227 = arith.constant 0 : i32
    %dma_start3A_228 = arith.constant 0 : i32
    %dma_start3A_229 = tpu.memref_slice %arg9[%dma_start3A_226, %dma_start3A_227, %dma_start3A_228] : memref<6x128x128xf32, #tpu.memory_space<vmem>> -> memref<1x128x128xf32, #tpu.memory_space<vmem>>
    %dma_start3A_230 = tpu.memref_squeeze %dma_start3A_229 : memref<1x128x128xf32, #tpu.memory_space<vmem>> -> memref<128x128xf32, #tpu.memory_space<vmem>>
    %dma_start3A_231 = arith.constant 0 : i32
    %dma_start3A_232 = tpu.memref_slice %arg5[%add3A_225, %dma_start3A_231] : memref<65536x128xf32, #tpu.memory_space<hbm>> -> memref<128x128xf32, #tpu.memory_space<hbm>>
    %dma_start3A_233 = arith.constant 0 : i32
    %dma_start3A_234 = tpu.memref_slice %arg5[%add3A_225, %dma_start3A_233] : memref<65536x128xf32, #tpu.memory_space<hbm>> -> memref<128x128xf32, #tpu.memory_space<hbm>>
    %dma_start3A_235 = arith.constant 0 : i32
    %dma_start3A_236 = arith.constant 0 : i32
    %dma_start3A_237 = tpu.memref_slice %arg9[%dma_start3A_226, %dma_start3A_235, %dma_start3A_236] : memref<6x128x128xf32, #tpu.memory_space<vmem>> -> memref<1x128x128xf32, #tpu.memory_space<vmem>>
    %dma_start3A_238 = tpu.memref_squeeze %dma_start3A_237 : memref<1x128x128xf32, #tpu.memory_space<vmem>> -> memref<128x128xf32, #tpu.memory_space<vmem>>
    tpu.enqueue_dma source(%dma_start3A_238 : memref<128x128xf32, #tpu.memory_space<vmem>>) target(%dma_start3A_234 : memref<128x128xf32, #tpu.memory_space<hbm>>) target_semaphore(%arg12 : memref<!tpu.dma_semaphore, #tpu.memory_space<semaphore_mem>>)
    %dma_wait3A_239 = arith.constant 4 : i32
    %dma_wait3A_240 = arith.constant 4 : i32
    %dma_wait3A_241 = arith.constant 0 : i32
    %dma_wait3A_242 = arith.constant 0 : i32
    %dma_wait3A_243 = tpu.memref_slice %arg9[%dma_wait3A_240, %dma_wait3A_241, %dma_wait3A_242] : memref<6x128x128xf32, #tpu.memory_space<vmem>> -> memref<1x128x128xf32, #tpu.memory_space<vmem>>
    %dma_wait3A_244 = tpu.memref_squeeze %dma_wait3A_243 : memref<1x128x128xf32, #tpu.memory_space<vmem>> -> memref<128x128xf32, #tpu.memory_space<vmem>>
    %dma_wait3A_245 = arith.constant 0 : i32
    %dma_wait3A_246 = tpu.memref_slice %arg8[%dma_wait3A_239, %dma_wait3A_245] : memref<8x128xi32, #tpu.memory_space<vmem>> -> memref<1x128xi32, #tpu.memory_space<vmem>>
    %dma_wait3A_247 = tpu.memref_squeeze %dma_wait3A_246 : memref<1x128xi32, #tpu.memory_space<vmem>> -> memref<128xi32, #tpu.memory_space<vmem>>
    %dma_wait3A_248 = arith.constant 0 : i32
    %dma_wait3A_249 = arith.constant 0 : i32
    %dma_wait3A_250 = tpu.memref_slice %arg10[%dma_wait3A_248, %dma_wait3A_249] : memref<1025x128xf32, #tpu.memory_space<vmem_shared>> -> memref<1025x128xf32, #tpu.memory_space<vmem_shared>>
    tpu.wait_indirect_dma semaphore(%arg11 : memref<!tpu.dma_semaphore, #tpu.memory_space<semaphore_mem>>) src(%dma_wait3A_250 : memref<1025x128xf32, #tpu.memory_space<vmem_shared>>) dst(%dma_wait3A_244 : memref<128x128xf32, #tpu.memory_space<vmem>>)
    %add3A_251 = arith.constant 512 : i32
    %add3A_252 = arith.addi %mul3A_2, %add3A_251 : i32
    %dma_start3A_253 = arith.constant 4 : i32
    %dma_start3A_254 = arith.constant 0 : i32
    %dma_start3A_255 = arith.constant 0 : i32
    %dma_start3A_256 = tpu.memref_slice %arg9[%dma_start3A_253, %dma_start3A_254, %dma_start3A_255] : memref<6x128x128xf32, #tpu.memory_space<vmem>> -> memref<1x128x128xf32, #tpu.memory_space<vmem>>
    %dma_start3A_257 = tpu.memref_squeeze %dma_start3A_256 : memref<1x128x128xf32, #tpu.memory_space<vmem>> -> memref<128x128xf32, #tpu.memory_space<vmem>>
    %dma_start3A_258 = arith.constant 0 : i32
    %dma_start3A_259 = tpu.memref_slice %arg5[%add3A_252, %dma_start3A_258] : memref<65536x128xf32, #tpu.memory_space<hbm>> -> memref<128x128xf32, #tpu.memory_space<hbm>>
    %dma_start3A_260 = arith.constant 0 : i32
    %dma_start3A_261 = tpu.memref_slice %arg5[%add3A_252, %dma_start3A_260] : memref<65536x128xf32, #tpu.memory_space<hbm>> -> memref<128x128xf32, #tpu.memory_space<hbm>>
    %dma_start3A_262 = arith.constant 0 : i32
    %dma_start3A_263 = arith.constant 0 : i32
    %dma_start3A_264 = tpu.memref_slice %arg9[%dma_start3A_253, %dma_start3A_262, %dma_start3A_263] : memref<6x128x128xf32, #tpu.memory_space<vmem>> -> memref<1x128x128xf32, #tpu.memory_space<vmem>>
    %dma_start3A_265 = tpu.memref_squeeze %dma_start3A_264 : memref<1x128x128xf32, #tpu.memory_space<vmem>> -> memref<128x128xf32, #tpu.memory_space<vmem>>
    tpu.enqueue_dma source(%dma_start3A_265 : memref<128x128xf32, #tpu.memory_space<vmem>>) target(%dma_start3A_261 : memref<128x128xf32, #tpu.memory_space<hbm>>) target_semaphore(%arg12 : memref<!tpu.dma_semaphore, #tpu.memory_space<semaphore_mem>>)
    %dma_wait3A_266 = arith.constant 5 : i32
    %dma_wait3A_267 = arith.constant 5 : i32
    %dma_wait3A_268 = arith.constant 0 : i32
    %dma_wait3A_269 = arith.constant 0 : i32
    %dma_wait3A_270 = tpu.memref_slice %arg9[%dma_wait3A_267, %dma_wait3A_268, %dma_wait3A_269] : memref<6x128x128xf32, #tpu.memory_space<vmem>> -> memref<1x128x128xf32, #tpu.memory_space<vmem>>
    %dma_wait3A_271 = tpu.memref_squeeze %dma_wait3A_270 : memref<1x128x128xf32, #tpu.memory_space<vmem>> -> memref<128x128xf32, #tpu.memory_space<vmem>>
    %dma_wait3A_272 = arith.constant 0 : i32
    %dma_wait3A_273 = tpu.memref_slice %arg8[%dma_wait3A_266, %dma_wait3A_272] : memref<8x128xi32, #tpu.memory_space<vmem>> -> memref<1x128xi32, #tpu.memory_space<vmem>>
    %dma_wait3A_274 = tpu.memref_squeeze %dma_wait3A_273 : memref<1x128xi32, #tpu.memory_space<vmem>> -> memref<128xi32, #tpu.memory_space<vmem>>
    %dma_wait3A_275 = arith.constant 0 : i32
    %dma_wait3A_276 = arith.constant 0 : i32
    %dma_wait3A_277 = tpu.memref_slice %arg10[%dma_wait3A_275, %dma_wait3A_276] : memref<1025x128xf32, #tpu.memory_space<vmem_shared>> -> memref<1025x128xf32, #tpu.memory_space<vmem_shared>>
    tpu.wait_indirect_dma semaphore(%arg11 : memref<!tpu.dma_semaphore, #tpu.memory_space<semaphore_mem>>) src(%dma_wait3A_277 : memref<1025x128xf32, #tpu.memory_space<vmem_shared>>) dst(%dma_wait3A_271 : memref<128x128xf32, #tpu.memory_space<vmem>>)
    %add3A_278 = arith.constant 640 : i32
    %add3A_279 = arith.addi %mul3A_2, %add3A_278 : i32
    %dma_start3A_280 = arith.constant 5 : i32
    %dma_start3A_281 = arith.constant 0 : i32
    %dma_start3A_282 = arith.constant 0 : i32
    %dma_start3A_283 = tpu.memref_slice %arg9[%dma_start3A_280, %dma_start3A_281, %dma_start3A_282] : memref<6x128x128xf32, #tpu.memory_space<vmem>> -> memref<1x128x128xf32, #tpu.memory_space<vmem>>
    %dma_start3A_284 = tpu.memref_squeeze %dma_start3A_283 : memref<1x128x128xf32, #tpu.memory_space<vmem>> -> memref<128x128xf32, #tpu.memory_space<vmem>>
    %dma_start3A_285 = arith.constant 0 : i32
    %dma_start3A_286 = tpu.memref_slice %arg5[%add3A_279, %dma_start3A_285] : memref<65536x128xf32, #tpu.memory_space<hbm>> -> memref<128x128xf32, #tpu.memory_space<hbm>>
    %dma_start3A_287 = arith.constant 0 : i32
    %dma_start3A_288 = tpu.memref_slice %arg5[%add3A_279, %dma_start3A_287] : memref<65536x128xf32, #tpu.memory_space<hbm>> -> memref<128x128xf32, #tpu.memory_space<hbm>>
    %dma_start3A_289 = arith.constant 0 : i32
    %dma_start3A_290 = arith.constant 0 : i32
    %dma_start3A_291 = tpu.memref_slice %arg9[%dma_start3A_280, %dma_start3A_289, %dma_start3A_290] : memref<6x128x128xf32, #tpu.memory_space<vmem>> -> memref<1x128x128xf32, #tpu.memory_space<vmem>>
    %dma_start3A_292 = tpu.memref_squeeze %dma_start3A_291 : memref<1x128x128xf32, #tpu.memory_space<vmem>> -> memref<128x128xf32, #tpu.memory_space<vmem>>
    tpu.enqueue_dma source(%dma_start3A_292 : memref<128x128xf32, #tpu.memory_space<vmem>>) target(%dma_start3A_288 : memref<128x128xf32, #tpu.memory_space<hbm>>) target_semaphore(%arg12 : memref<!tpu.dma_semaphore, #tpu.memory_space<semaphore_mem>>)
    %dma_wait3A_293 = arith.constant 6 : i32
    %dma_wait3A_294 = arith.constant 0 : i32
    %dma_wait3A_295 = arith.constant 0 : i32
    %dma_wait3A_296 = arith.constant 0 : i32
    %dma_wait3A_297 = tpu.memref_slice %arg9[%dma_wait3A_294, %dma_wait3A_295, %dma_wait3A_296] : memref<6x128x128xf32, #tpu.memory_space<vmem>> -> memref<1x128x128xf32, #tpu.memory_space<vmem>>
    %dma_wait3A_298 = tpu.memref_squeeze %dma_wait3A_297 : memref<1x128x128xf32, #tpu.memory_space<vmem>> -> memref<128x128xf32, #tpu.memory_space<vmem>>
    %dma_wait3A_299 = arith.constant 0 : i32
    %dma_wait3A_300 = tpu.memref_slice %arg8[%dma_wait3A_293, %dma_wait3A_299] : memref<8x128xi32, #tpu.memory_space<vmem>> -> memref<1x128xi32, #tpu.memory_space<vmem>>
    %dma_wait3A_301 = tpu.memref_squeeze %dma_wait3A_300 : memref<1x128xi32, #tpu.memory_space<vmem>> -> memref<128xi32, #tpu.memory_space<vmem>>
    %dma_wait3A_302 = arith.constant 0 : i32
    %dma_wait3A_303 = arith.constant 0 : i32
    %dma_wait3A_304 = tpu.memref_slice %arg10[%dma_wait3A_302, %dma_wait3A_303] : memref<1025x128xf32, #tpu.memory_space<vmem_shared>> -> memref<1025x128xf32, #tpu.memory_space<vmem_shared>>
    tpu.wait_indirect_dma semaphore(%arg11 : memref<!tpu.dma_semaphore, #tpu.memory_space<semaphore_mem>>) src(%dma_wait3A_304 : memref<1025x128xf32, #tpu.memory_space<vmem_shared>>) dst(%dma_wait3A_298 : memref<128x128xf32, #tpu.memory_space<vmem>>)
    %add3A_305 = arith.constant 768 : i32
    %add3A_306 = arith.addi %mul3A_2, %add3A_305 : i32
    %dma_start3A_307 = arith.constant 0 : i32
    %dma_start3A_308 = arith.constant 0 : i32
    %dma_start3A_309 = arith.constant 0 : i32
    %dma_start3A_310 = tpu.memref_slice %arg9[%dma_start3A_307, %dma_start3A_308, %dma_start3A_309] : memref<6x128x128xf32, #tpu.memory_space<vmem>> -> memref<1x128x128xf32, #tpu.memory_space<vmem>>
    %dma_start3A_311 = tpu.memref_squeeze %dma_start3A_310 : memref<1x128x128xf32, #tpu.memory_space<vmem>> -> memref<128x128xf32, #tpu.memory_space<vmem>>
    %dma_start3A_312 = arith.constant 0 : i32
    %dma_start3A_313 = tpu.memref_slice %arg5[%add3A_306, %dma_start3A_312] : memref<65536x128xf32, #tpu.memory_space<hbm>> -> memref<128x128xf32, #tpu.memory_space<hbm>>
    %dma_start3A_314 = arith.constant 0 : i32
    %dma_start3A_315 = tpu.memref_slice %arg5[%add3A_306, %dma_start3A_314] : memref<65536x128xf32, #tpu.memory_space<hbm>> -> memref<128x128xf32, #tpu.memory_space<hbm>>
    %dma_start3A_316 = arith.constant 0 : i32
    %dma_start3A_317 = arith.constant 0 : i32
    %dma_start3A_318 = tpu.memref_slice %arg9[%dma_start3A_307, %dma_start3A_316, %dma_start3A_317] : memref<6x128x128xf32, #tpu.memory_space<vmem>> -> memref<1x128x128xf32, #tpu.memory_space<vmem>>
    %dma_start3A_319 = tpu.memref_squeeze %dma_start3A_318 : memref<1x128x128xf32, #tpu.memory_space<vmem>> -> memref<128x128xf32, #tpu.memory_space<vmem>>
    tpu.enqueue_dma source(%dma_start3A_319 : memref<128x128xf32, #tpu.memory_space<vmem>>) target(%dma_start3A_315 : memref<128x128xf32, #tpu.memory_space<hbm>>) target_semaphore(%arg12 : memref<!tpu.dma_semaphore, #tpu.memory_space<semaphore_mem>>)
    %dma_wait3A_320 = arith.constant 7 : i32
    %dma_wait3A_321 = arith.constant 1 : i32
    %dma_wait3A_322 = arith.constant 0 : i32
    %dma_wait3A_323 = arith.constant 0 : i32
    %dma_wait3A_324 = tpu.memref_slice %arg9[%dma_wait3A_321, %dma_wait3A_322, %dma_wait3A_323] : memref<6x128x128xf32, #tpu.memory_space<vmem>> -> memref<1x128x128xf32, #tpu.memory_space<vmem>>
    %dma_wait3A_325 = tpu.memref_squeeze %dma_wait3A_324 : memref<1x128x128xf32, #tpu.memory_space<vmem>> -> memref<128x128xf32, #tpu.memory_space<vmem>>
    %dma_wait3A_326 = arith.constant 0 : i32
    %dma_wait3A_327 = tpu.memref_slice %arg8[%dma_wait3A_320, %dma_wait3A_326] : memref<8x128xi32, #tpu.memory_space<vmem>> -> memref<1x128xi32, #tpu.memory_space<vmem>>
    %dma_wait3A_328 = tpu.memref_squeeze %dma_wait3A_327 : memref<1x128xi32, #tpu.memory_space<vmem>> -> memref<128xi32, #tpu.memory_space<vmem>>
    %dma_wait3A_329 = arith.constant 0 : i32
    %dma_wait3A_330 = arith.constant 0 : i32
    %dma_wait3A_331 = tpu.memref_slice %arg10[%dma_wait3A_329, %dma_wait3A_330] : memref<1025x128xf32, #tpu.memory_space<vmem_shared>> -> memref<1025x128xf32, #tpu.memory_space<vmem_shared>>
    tpu.wait_indirect_dma semaphore(%arg11 : memref<!tpu.dma_semaphore, #tpu.memory_space<semaphore_mem>>) src(%dma_wait3A_331 : memref<1025x128xf32, #tpu.memory_space<vmem_shared>>) dst(%dma_wait3A_325 : memref<128x128xf32, #tpu.memory_space<vmem>>)
    %add3A_332 = arith.constant 896 : i32
    %add3A_333 = arith.addi %mul3A_2, %add3A_332 : i32
    %dma_start3A_334 = arith.constant 1 : i32
    %dma_start3A_335 = arith.constant 0 : i32
    %dma_start3A_336 = arith.constant 0 : i32
    %dma_start3A_337 = tpu.memref_slice %arg9[%dma_start3A_334, %dma_start3A_335, %dma_start3A_336] : memref<6x128x128xf32, #tpu.memory_space<vmem>> -> memref<1x128x128xf32, #tpu.memory_space<vmem>>
    %dma_start3A_338 = tpu.memref_squeeze %dma_start3A_337 : memref<1x128x128xf32, #tpu.memory_space<vmem>> -> memref<128x128xf32, #tpu.memory_space<vmem>>
    %dma_start3A_339 = arith.constant 0 : i32
    %dma_start3A_340 = tpu.memref_slice %arg5[%add3A_333, %dma_start3A_339] : memref<65536x128xf32, #tpu.memory_space<hbm>> -> memref<128x128xf32, #tpu.memory_space<hbm>>
    %dma_start3A_341 = arith.constant 0 : i32
    %dma_start3A_342 = tpu.memref_slice %arg5[%add3A_333, %dma_start3A_341] : memref<65536x128xf32, #tpu.memory_space<hbm>> -> memref<128x128xf32, #tpu.memory_space<hbm>>
    %dma_start3A_343 = arith.constant 0 : i32
    %dma_start3A_344 = arith.constant 0 : i32
    %dma_start3A_345 = tpu.memref_slice %arg9[%dma_start3A_334, %dma_start3A_343, %dma_start3A_344] : memref<6x128x128xf32, #tpu.memory_space<vmem>> -> memref<1x128x128xf32, #tpu.memory_space<vmem>>
    %dma_start3A_346 = tpu.memref_squeeze %dma_start3A_345 : memref<1x128x128xf32, #tpu.memory_space<vmem>> -> memref<128x128xf32, #tpu.memory_space<vmem>>
    tpu.enqueue_dma source(%dma_start3A_346 : memref<128x128xf32, #tpu.memory_space<vmem>>) target(%dma_start3A_342 : memref<128x128xf32, #tpu.memory_space<hbm>>) target_semaphore(%arg12 : memref<!tpu.dma_semaphore, #tpu.memory_space<semaphore_mem>>)
    %dma_wait3A_347 = arith.constant 2 : i32
    %dma_wait3A_348 = arith.constant 0 : i32
    %dma_wait3A_349 = arith.constant 0 : i32
    %dma_wait3A_350 = tpu.memref_slice %arg9[%dma_wait3A_347, %dma_wait3A_348, %dma_wait3A_349] : memref<6x128x128xf32, #tpu.memory_space<vmem>> -> memref<1x128x128xf32, #tpu.memory_space<vmem>>
    %dma_wait3A_351 = tpu.memref_squeeze %dma_wait3A_350 : memref<1x128x128xf32, #tpu.memory_space<vmem>> -> memref<128x128xf32, #tpu.memory_space<vmem>>
    %dma_wait3A_352 = arith.constant 0 : i32
    %dma_wait3A_353 = tpu.memref_slice %arg5[%add3A_198, %dma_wait3A_352] : memref<65536x128xf32, #tpu.memory_space<hbm>> -> memref<128x128xf32, #tpu.memory_space<hbm>>
    %dma_wait3A_354 = arith.constant 0 : i32
    %dma_wait3A_355 = tpu.memref_slice %arg5[%add3A_198, %dma_wait3A_354] : memref<65536x128xf32, #tpu.memory_space<hbm>> -> memref<128x128xf32, #tpu.memory_space<hbm>>
    %dma_wait3A_356 = arith.constant 0 : i32
    %dma_wait3A_357 = arith.constant 0 : i32
    %dma_wait3A_358 = tpu.memref_slice %arg9[%dma_wait3A_347, %dma_wait3A_356, %dma_wait3A_357] : memref<6x128x128xf32, #tpu.memory_space<vmem>> -> memref<1x128x128xf32, #tpu.memory_space<vmem>>
    %dma_wait3A_359 = tpu.memref_squeeze %dma_wait3A_358 : memref<1x128x128xf32, #tpu.memory_space<vmem>> -> memref<128x128xf32, #tpu.memory_space<vmem>>
    tpu.wait_dma2 semaphore(%arg12 : memref<!tpu.dma_semaphore, #tpu.memory_space<semaphore_mem>>) src(%dma_wait3A_359 : memref<128x128xf32, #tpu.memory_space<vmem>>) dst(%dma_wait3A_355 : memref<128x128xf32, #tpu.memory_space<hbm>>)
    %dma_wait3A_360 = arith.constant 3 : i32
    %dma_wait3A_361 = arith.constant 0 : i32
    %dma_wait3A_362 = arith.constant 0 : i32
    %dma_wait3A_363 = tpu.memref_slice %arg9[%dma_wait3A_360, %dma_wait3A_361, %dma_wait3A_362] : memref<6x128x128xf32, #tpu.memory_space<vmem>> -> memref<1x128x128xf32, #tpu.memory_space<vmem>>
    %dma_wait3A_364 = tpu.memref_squeeze %dma_wait3A_363 : memref<1x128x128xf32, #tpu.memory_space<vmem>> -> memref<128x128xf32, #tpu.memory_space<vmem>>
    %dma_wait3A_365 = arith.constant 0 : i32
    %dma_wait3A_366 = tpu.memref_slice %arg5[%add3A_225, %dma_wait3A_365] : memref<65536x128xf32, #tpu.memory_space<hbm>> -> memref<128x128xf32, #tpu.memory_space<hbm>>
    %dma_wait3A_367 = arith.constant 0 : i32
    %dma_wait3A_368 = tpu.memref_slice %arg5[%add3A_225, %dma_wait3A_367] : memref<65536x128xf32, #tpu.memory_space<hbm>> -> memref<128x128xf32, #tpu.memory_space<hbm>>
    %dma_wait3A_369 = arith.constant 0 : i32
    %dma_wait3A_370 = arith.constant 0 : i32
    %dma_wait3A_371 = tpu.memref_slice %arg9[%dma_wait3A_360, %dma_wait3A_369, %dma_wait3A_370] : memref<6x128x128xf32, #tpu.memory_space<vmem>> -> memref<1x128x128xf32, #tpu.memory_space<vmem>>
    %dma_wait3A_372 = tpu.memref_squeeze %dma_wait3A_371 : memref<1x128x128xf32, #tpu.memory_space<vmem>> -> memref<128x128xf32, #tpu.memory_space<vmem>>
    tpu.wait_dma2 semaphore(%arg12 : memref<!tpu.dma_semaphore, #tpu.memory_space<semaphore_mem>>) src(%dma_wait3A_372 : memref<128x128xf32, #tpu.memory_space<vmem>>) dst(%dma_wait3A_368 : memref<128x128xf32, #tpu.memory_space<hbm>>)
    %dma_wait3A_373 = arith.constant 4 : i32
    %dma_wait3A_374 = arith.constant 0 : i32
    %dma_wait3A_375 = arith.constant 0 : i32
    %dma_wait3A_376 = tpu.memref_slice %arg9[%dma_wait3A_373, %dma_wait3A_374, %dma_wait3A_375] : memref<6x128x128xf32, #tpu.memory_space<vmem>> -> memref<1x128x128xf32, #tpu.memory_space<vmem>>
    %dma_wait3A_377 = tpu.memref_squeeze %dma_wait3A_376 : memref<1x128x128xf32, #tpu.memory_space<vmem>> -> memref<128x128xf32, #tpu.memory_space<vmem>>
    %dma_wait3A_378 = arith.constant 0 : i32
    %dma_wait3A_379 = tpu.memref_slice %arg5[%add3A_252, %dma_wait3A_378] : memref<65536x128xf32, #tpu.memory_space<hbm>> -> memref<128x128xf32, #tpu.memory_space<hbm>>
    %dma_wait3A_380 = arith.constant 0 : i32
    %dma_wait3A_381 = tpu.memref_slice %arg5[%add3A_252, %dma_wait3A_380] : memref<65536x128xf32, #tpu.memory_space<hbm>> -> memref<128x128xf32, #tpu.memory_space<hbm>>
    %dma_wait3A_382 = arith.constant 0 : i32
    %dma_wait3A_383 = arith.constant 0 : i32
    %dma_wait3A_384 = tpu.memref_slice %arg9[%dma_wait3A_373, %dma_wait3A_382, %dma_wait3A_383] : memref<6x128x128xf32, #tpu.memory_space<vmem>> -> memref<1x128x128xf32, #tpu.memory_space<vmem>>
    %dma_wait3A_385 = tpu.memref_squeeze %dma_wait3A_384 : memref<1x128x128xf32, #tpu.memory_space<vmem>> -> memref<128x128xf32, #tpu.memory_space<vmem>>
    tpu.wait_dma2 semaphore(%arg12 : memref<!tpu.dma_semaphore, #tpu.memory_space<semaphore_mem>>) src(%dma_wait3A_385 : memref<128x128xf32, #tpu.memory_space<vmem>>) dst(%dma_wait3A_381 : memref<128x128xf32, #tpu.memory_space<hbm>>)
    %dma_wait3A_386 = arith.constant 5 : i32
    %dma_wait3A_387 = arith.constant 0 : i32
    %dma_wait3A_388 = arith.constant 0 : i32
    %dma_wait3A_389 = tpu.memref_slice %arg9[%dma_wait3A_386, %dma_wait3A_387, %dma_wait3A_388] : memref<6x128x128xf32, #tpu.memory_space<vmem>> -> memref<1x128x128xf32, #tpu.memory_space<vmem>>
    %dma_wait3A_390 = tpu.memref_squeeze %dma_wait3A_389 : memref<1x128x128xf32, #tpu.memory_space<vmem>> -> memref<128x128xf32, #tpu.memory_space<vmem>>
    %dma_wait3A_391 = arith.constant 0 : i32
    %dma_wait3A_392 = tpu.memref_slice %arg5[%add3A_279, %dma_wait3A_391] : memref<65536x128xf32, #tpu.memory_space<hbm>> -> memref<128x128xf32, #tpu.memory_space<hbm>>
    %dma_wait3A_393 = arith.constant 0 : i32
    %dma_wait3A_394 = tpu.memref_slice %arg5[%add3A_279, %dma_wait3A_393] : memref<65536x128xf32, #tpu.memory_space<hbm>> -> memref<128x128xf32, #tpu.memory_space<hbm>>
    %dma_wait3A_395 = arith.constant 0 : i32
    %dma_wait3A_396 = arith.constant 0 : i32
    %dma_wait3A_397 = tpu.memref_slice %arg9[%dma_wait3A_386, %dma_wait3A_395, %dma_wait3A_396] : memref<6x128x128xf32, #tpu.memory_space<vmem>> -> memref<1x128x128xf32, #tpu.memory_space<vmem>>
    %dma_wait3A_398 = tpu.memref_squeeze %dma_wait3A_397 : memref<1x128x128xf32, #tpu.memory_space<vmem>> -> memref<128x128xf32, #tpu.memory_space<vmem>>
    tpu.wait_dma2 semaphore(%arg12 : memref<!tpu.dma_semaphore, #tpu.memory_space<semaphore_mem>>) src(%dma_wait3A_398 : memref<128x128xf32, #tpu.memory_space<vmem>>) dst(%dma_wait3A_394 : memref<128x128xf32, #tpu.memory_space<hbm>>)
    %dma_wait3A_399 = arith.constant 0 : i32
    %dma_wait3A_400 = arith.constant 0 : i32
    %dma_wait3A_401 = arith.constant 0 : i32
    %dma_wait3A_402 = tpu.memref_slice %arg9[%dma_wait3A_399, %dma_wait3A_400, %dma_wait3A_401] : memref<6x128x128xf32, #tpu.memory_space<vmem>> -> memref<1x128x128xf32, #tpu.memory_space<vmem>>
    %dma_wait3A_403 = tpu.memref_squeeze %dma_wait3A_402 : memref<1x128x128xf32, #tpu.memory_space<vmem>> -> memref<128x128xf32, #tpu.memory_space<vmem>>
    %dma_wait3A_404 = arith.constant 0 : i32
    %dma_wait3A_405 = tpu.memref_slice %arg5[%add3A_306, %dma_wait3A_404] : memref<65536x128xf32, #tpu.memory_space<hbm>> -> memref<128x128xf32, #tpu.memory_space<hbm>>
    %dma_wait3A_406 = arith.constant 0 : i32
    %dma_wait3A_407 = tpu.memref_slice %arg5[%add3A_306, %dma_wait3A_406] : memref<65536x128xf32, #tpu.memory_space<hbm>> -> memref<128x128xf32, #tpu.memory_space<hbm>>
    %dma_wait3A_408 = arith.constant 0 : i32
    %dma_wait3A_409 = arith.constant 0 : i32
    %dma_wait3A_410 = tpu.memref_slice %arg9[%dma_wait3A_399, %dma_wait3A_408, %dma_wait3A_409] : memref<6x128x128xf32, #tpu.memory_space<vmem>> -> memref<1x128x128xf32, #tpu.memory_space<vmem>>
    %dma_wait3A_411 = tpu.memref_squeeze %dma_wait3A_410 : memref<1x128x128xf32, #tpu.memory_space<vmem>> -> memref<128x128xf32, #tpu.memory_space<vmem>>
    tpu.wait_dma2 semaphore(%arg12 : memref<!tpu.dma_semaphore, #tpu.memory_space<semaphore_mem>>) src(%dma_wait3A_411 : memref<128x128xf32, #tpu.memory_space<vmem>>) dst(%dma_wait3A_407 : memref<128x128xf32, #tpu.memory_space<hbm>>)
    %dma_wait3A_412 = arith.constant 1 : i32
    %dma_wait3A_413 = arith.constant 0 : i32
    %dma_wait3A_414 = arith.constant 0 : i32
    %dma_wait3A_415 = tpu.memref_slice %arg9[%dma_wait3A_412, %dma_wait3A_413, %dma_wait3A_414] : memref<6x128x128xf32, #tpu.memory_space<vmem>> -> memref<1x128x128xf32, #tpu.memory_space<vmem>>
    %dma_wait3A_416 = tpu.memref_squeeze %dma_wait3A_415 : memref<1x128x128xf32, #tpu.memory_space<vmem>> -> memref<128x128xf32, #tpu.memory_space<vmem>>
    %dma_wait3A_417 = arith.constant 0 : i32
    %dma_wait3A_418 = tpu.memref_slice %arg5[%add3A_333, %dma_wait3A_417] : memref<65536x128xf32, #tpu.memory_space<hbm>> -> memref<128x128xf32, #tpu.memory_space<hbm>>
    %dma_wait3A_419 = arith.constant 0 : i32
    %dma_wait3A_420 = tpu.memref_slice %arg5[%add3A_333, %dma_wait3A_419] : memref<65536x128xf32, #tpu.memory_space<hbm>> -> memref<128x128xf32, #tpu.memory_space<hbm>>
    %dma_wait3A_421 = arith.constant 0 : i32
    %dma_wait3A_422 = arith.constant 0 : i32
    %dma_wait3A_423 = tpu.memref_slice %arg9[%dma_wait3A_412, %dma_wait3A_421, %dma_wait3A_422] : memref<6x128x128xf32, #tpu.memory_space<vmem>> -> memref<1x128x128xf32, #tpu.memory_space<vmem>>
    %dma_wait3A_424 = tpu.memref_squeeze %dma_wait3A_423 : memref<1x128x128xf32, #tpu.memory_space<vmem>> -> memref<128x128xf32, #tpu.memory_space<vmem>>
    tpu.wait_dma2 semaphore(%arg12 : memref<!tpu.dma_semaphore, #tpu.memory_space<semaphore_mem>>) src(%dma_wait3A_424 : memref<128x128xf32, #tpu.memory_space<vmem>>) dst(%dma_wait3A_420 : memref<128x128xf32, #tpu.memory_space<hbm>>)
    return
  }
}

</mosaic_0001>

<sc_bundles>
// kernel: _run_sc.3.cloned.1.call-start
scs
__scs_entry_jumppad:
0x0: {  	(pc) =	sbr.rel $0x88, $3  }
0x1: {  	(tag) =	ssettag $0x0;
	lr =	simm.s32 $0x1  }
0x2: {  	[smem:$0x3F9E] =	sst lr;
	_ =	strace $0xD0000000  }
0x3: {  	_ = 	snop  }
0x4: {  	_ = 	snop  }
0x5: {  	_ = 	snop  }
0x6: {  	_ = 	snop  }
0x7: {  	_ = 	snop  }
__scs_overlays_trampoline_lowered:
0x8: {  	[smem:$0x3FAD] =	sst s0  }
0x9: {  	[smem:$0x3FAE] =	sst s1  }
0xa: {  	[smem:$0x3FAF] =	sst s2  }
0xb: {  	[smem:$0x3FB0] =	sst s3  }
0xc: {  	[smem:$0x3FB1] =	sst s4  }
0xd: {  	[smem:$0x3FB2] =	sst s5  }
0xe: {  	[smem:$0x3FB3] =	sst s6  }
0xf: {  	[smem:$0x3FB4] =	sst s7  }
0x10: {  	[smem:$0x3FB5] =	sst s8  }
0x11: {  	[smem:$0x3FB6] =	sst s9;
	s0 =	simm.s32 @!p0 $0x0  }
0x12: {  	s1 =	sld [smem:$0x3F9C];
	s0 =	simm.s32 @p0 $0x1  }
0x13: {  	[smem:$0x3FB7] =	sst s0;
	s0 =	simm.s32 @!p1 $0x0  }
0x14: {  	s2 =	sld [smem:$0x3F9B];
	s0 =	simm.s32 @p1 $0x1  }
0x15: {  	[smem:$0x3FB8] =	sst s0;
	s0 =	simm.s32 @!p2 $0x0  }
0x16: {  	s3 =	sld [smem:$0x3FDB];
	s0 =	simm.s32 @p2 $0x1  }
0x17: {  	s4 =	simm.s32 $0x1BF5;
	[smem:$0x3FBA] =	sst s0  }
0x18: {  	s0 =	sld [smem:$0x3F9D];
	_ =	swait.ge [sflag:s4], $0x0  }
0x19: {  	s7 =	sld [smem:$0x3F9E]  }
0x1a: {  	s8 =	sadd.s32 $0xFFFFE003, lr  }
0x1b: {  	s9 =	sadd.s32 $0xFFFFFEF7, lr;
	s5 =	simm.s32 $0xFFFFFFFF;
	p2 =	slt.u32 s8, $0xFFFFF086  }
0x1c: {  	p1 =	slt.u32 s9, $0xF7A;
	s5 =	simm.s32 @!p2 $0x0  }
0x1d: {  	s5 =	simm.s32 @p1 $0x1;
	p0 =	seq.s32 s7, s2  }
0x1e: {  	s7 =	smul.u32 @!p0 $0xF7A, s2;
	p2 =	seq.s32 @!p0 s5, $0x0  }
0x1f: {  	s9 =	smul.u32 $0xF7A, s1;
	s8 =	simm.s32 @!p0 $0x1BF5;
	p2 =	por !p2, p0  }
0x20: {  	[sflag:s8] =	ssyncset.s32 @!p0 $0xFFFFF086;
	s6 =	sadd.s32 @!p0 s3, s7;
	s7 =	simm.s32 @!p0 $0x108  }
0x21: {  	s3 =	sadd.s32 s3, s9;
	s6 =	sadd.s32 @!p0 $0x88, s6;
	s7 =	simm.s32 @p2 $0x1082  }
0x22: {  	[simem:s7], [sflag:s8] =	dma.local @!p0 [hbm:s6], $0xF7A  }
0x23: {  	s9 =	sor.u32 $0xD0000000, s2;
	s6 =	simm.s32 $0x108;
	_ =	swait.ge @!p0 [sflag:s8], $0x0  }
0x24: {  	s3 =	sadd.s32 $0x88, s3;
	s6 =	simm.s32 @!p1 $0x1082;
	[sflag:s4] =	ssyncset.s32 $0xFFFFF086  }
0x25: {  	[simem:s6], [sflag:s4] =	dma.local [hbm:s3], $0xF7A  }
0x26: {  	[smem:$0x3F9E] =	sst s1;
	(tag) =	ssettag s2;
	_ =	strace s9  }
0x27: {  	s1 =	sld [smem:$0x3FAE]  }
0x28: {  	s2 =	sld [smem:$0x3FAF]  }
0x29: {  	s4 =	sld [smem:$0x3FB1]  }
0x2a: {  	p0 =	seq.s32 s5, $0x0;
	s5 =	sld [smem:$0x3FB2]  }
0x2b: {  	s6 =	sld [smem:$0x3FB3]  }
0x2c: {  	s7 =	sld [smem:$0x3FB4]  }
0x2d: {  	s3 =	simm.s32 $0x108;
	s8 =	sld [smem:$0x3FB5]  }
0x2e: {  	s3 =	simm.s32 @!p0 $0x1082;
	s9 =	sld [smem:$0x3FB6]  }
0x2f: {  	lr =	sadd.s32 s0, s3;
	s0 =	sld [smem:$0x3FAD]  }
0x30: {  	s3 =	sld [smem:$0x3FB0]  }
0x31: {  	[smem:$0x3FB9] =	sst s10  }
0x32: {  	s10 =	sld [smem:$0x3FB7];
	_ =	sdelay $0x3  }
0x33: {  	p0 =	seq.s32 s10, $0x1;
	s10 =	sld [smem:$0x3FB9];
	_ =	sdelay $0x3  }
0x34: {  	[smem:$0x3FB9] =	sst s10  }
0x35: {  	s10 =	sld [smem:$0x3FB8];
	_ =	sdelay $0x3  }
0x36: {  	p1 =	seq.s32 s10, $0x1;
	s10 =	sld [smem:$0x3FB9];
	_ =	sdelay $0x3  }
0x37: {  	[smem:$0x3FB9] =	sst s10  }
0x38: {  	s10 =	sld [smem:$0x3FBA]  }
0x39: {  	_ = 	snop;
	(pc) =	sbr.ind lr, $3  }
0x3a: {  	_ = 	snop  }
0x3b: {  	_ = 	snop  }
0x3c: {  	p2 =	seq.s32 s10, $0x1;
	s10 =	sld [smem:$0x3FB9]  }
0x3d: {  	_ =	shalt  }
0x3e: {  	_ =	shalt  }
0x3f: {  	_ =	shalt  }
0x40: {  	_ =	shalt  }
0x41: {  	_ =	shalt  }
0x42: {  	_ =	shalt  }
0x43: {  	_ =	shalt  }
0x44: {  	_ =	shalt  }
0x45: {  	_ =	shalt  }
0x46: {  	_ =	shalt  }
0x47: {  	_ =	shalt  }
0x48: {  	_ =	shalt  }
0x49: {  	_ =	shalt  }
0x4a: {  	_ =	shalt  }
0x4b: {  	_ =	shalt  }
0x4c: {  	_ =	shalt  }
0x4d: {  	_ =	shalt  }
0x4e: {  	_ =	shalt  }
0x4f: {  	_ =	shalt  }
0x50: {  	_ =	shalt  }
0x51: {  	_ =	shalt  }
0x52: {  	_ =	shalt  }
0x53: {  	_ =	shalt  }
0x54: {  	_ =	shalt  }
0x55: {  	_ =	shalt  }
0x56: {  	_ =	shalt  }
0x57: {  	_ =	shalt  }
0x58: {  	_ =	shalt  }
0x59: {  	_ =	shalt  }
0x5a: {  	_ =	shalt  }
0x5b: {  	_ =	shalt  }
0x5c: {  	_ =	shalt  }
0x5d: {  	_ =	shalt  }
0x5e: {  	_ =	shalt  }
0x5f: {  	_ =	shalt  }
0x60: {  	_ =	shalt  }
0x61: {  	_ =	shalt  }
0x62: {  	_ =	shalt  }
0x63: {  	_ =	shalt  }
0x64: {  	_ =	shalt  }
0x65: {  	_ =	shalt  }
0x66: {  	_ =	shalt  }
0x67: {  	_ =	shalt  }
0x68: {  	_ =	shalt  }
0x69: {  	_ =	shalt  }
0x6a: {  	_ =	shalt  }
0x6b: {  	_ =	shalt  }
0x6c: {  	_ =	shalt  }
0x6d: {  	_ =	shalt  }
0x6e: {  	_ =	shalt  }
0x6f: {  	_ =	shalt  }
0x70: {  	_ =	shalt  }
0x71: {  	_ =	shalt  }
0x72: {  	_ =	shalt  }
0x73: {  	_ =	shalt  }
0x74: {  	_ =	shalt  }
0x75: {  	_ =	shalt  }
0x76: {  	_ =	shalt  }
0x77: {  	_ =	shalt  }
0x78: {  	_ =	shalt  }
0x79: {  	_ =	shalt  }
0x7a: {  	_ =	shalt  }
0x7b: {  	_ =	shalt  }
0x7c: {  	_ =	shalt  }
0x7d: {  	_ =	shalt  }
0x7e: {  	_ =	shalt  }
0x7f: {  	_ =	shalt  }
0x80: {  	_ =	shalt  }
0x81: {  	_ =	shalt  }
0x82: {  	_ =	shalt  }
0x83: {  	_ =	shalt  }
0x84: {  	_ =	shalt  }
0x85: {  	_ =	shalt  }
0x86: {  	_ =	shalt  }
0x87: {  	_ =	shalt  }
.Lfunc_end0:
.L_simem_size_0:
called_computation_lowered:
.L_overlay_start_0:
0x88: {  	s2 =	sld [smem:$0x3FD9]  }
0x89: {  	s3 =	sld [smem:$0x3FFE];
	_ =	sdelay $0x1  }
0x8a: {  	s1 =	srdreg.scid  }
0x8b: {  	s0 =	sand.u32 $0x1, s1  }
0x8c: {  	s18 =	sshll.u32 s0, $0xA;
	s2 =	sadd.s32 s3, s2  }
0x8d: {  	s2 =	sadd.s32 s2, s18  }
0x8e: {  	[smem:$0x3FC5] =	sst s2  }
0x8f: {  	_ = 	snop  }
0x90: {  	s2 =	sld [smem:$0x3FC9]  }
0x91: {  	s19 =	sld [smem:$0x3FC8]  }
0x92: {  	s4 =	sld [smem:$0x3FC7]  }
0x93: {  	s5 =	sld [smem:$0x3FD0];
	(tm) =	ssettm $0x1  }
0x94: {  	s6 =	sld [smem:$0x3FFB];
	_ =	sdelay $0x3  }
0x95: {  	_ =	strace s6  }
0x96: {  	s6 =	sld [smem:$0x3FFC];
	_ =	sdelay $0x3  }
0x97: {  	_ =	strace s6  }
0x98: {  	s6 =	sld [smem:$0x3FFD];
	_ =	sdelay $0x3  }
0x99: {  	_ =	strace s6  }
0x9a: {  	_ =	strace $0x8FFFFFFF  }
0x9b: {  	s20 =	sld [smem:$0x3FDB];
	_ =	sdelay $0x1  }
0x9c: {  	s7 =	simm.s32 $_scs_section_size  }
0x9d: {  	s8 =	simm.s32 $_size__tile_overlayer_lowered;
	s9 =	simm.s32 $_tile_overlayer_lowered  }
0x9e: {  	s23 =	simm.s32 $0x1BFF;
	s22 =	sshll.u32 s9, $0x1;
	s6 =	sadd.s32 s7, s20  }
0x9f: {  	s10 =	simm.s32 $0x0;
	s21 =	sshll.u32 s8, $0x1;
	s8 =	sadd.s32 s22, s6  }
0xa0: {  	[timem:s10], [sflag:s23] =	dma.local [hbm:s8], s21  }
0xa1: {  	_ =	swait.ge [sflag:s23], s21  }
0xa2: {  	s7 =	ssub.s32 $0x0, s21;
	[sflag:s23] =	ssyncset.done $0x0  }
0xa3: {  	[sflag:s23] =	ssyncadd.s32 s7;
	_ =	sdelay $0x1  }
0xa4: {  	s24 =	simm.s32 $0x1B8B  }
0xa5: {  	_ =	swait.ge [sflag:s24], $0x1  }
0xa6: {  	[sflag:s24] =	ssyncset.done $0x0  }
0xa7: {  	s25 =	simm.s32 $0x1B8E;
	[sflag:s24] =	ssyncadd.s32 $0xFFFFFFFF  }
0xa8: {  	s26 =	simm.s32 $execute0_lowered;
	[smem:$0x3FD2] =	sst s25  }
0xa9: {  	s7 =	sshll.u32 s26, $0x1;
	_ =	strace $0x80000046;
	[dreg:$0x1] =	wrdreg $0xFFFFFFFF  }
0xaa: {  	s28 =	simm.s32 $_size_execute0_lowered;
	s6 =	sadd.s32 s6, s7;
	[dreg:$0x0] =	wrdreg $0x0  }
0xab: {  	s7 =	sshll.u32 s28, $0x1;
	[dreg:$0x2] =	wrdreg s6  }
0xac: {  	[dreg:$0x3] =	wrdreg s7  }
0xad: {  	[dreg:$0x4] =	wrdreg $0xC0  }
0xae: {  	_ =	task [dreg:s10], $0x5FFFF  }
0xaf: {  	[dreg:$0x1] =	wrdreg $0xFFFFFFFF  }
0xb0: {  	[dreg:$0x0] =	wrdreg $0x60  }
0xb1: {  	[dreg:$0x2] =	wrdreg s2  }
0xb2: {  	[dreg:$0x3] =	wrdreg s19  }
0xb3: {  	[dreg:$0x4] =	wrdreg s4  }
0xb4: {  	[dreg:$0x5] =	wrdreg s5  }
0xb5: {  	[dreg:$0x6] =	wrdreg $0x18C000  }
0xb6: {  	[dreg:$0x7] =	wrdreg $0x9  }
0xb7: {  	_ =	task.clear_ibuf [dreg:s10], $0x8FFFF;
	_ =	strace $0x90000046  }
0xb8: {  	s29 =	simm.s32 $0x9;
	_ =	strace $0x80000048  }
0xb9: {  	_ =	swait.ge [sflag:s29], $0x1  }
0xba: {  	[sflag:s29] =	ssyncadd.s32 $0xFFFFFFFF  }
0xbb: {  	_ =	strace $0x90000048  }
0xbc: {  	_ =	sfence  }
0xbd: {  	s30 =	sld [smem:$0x0];
	_ =	sdelay $0x2  }
0xbe: {  	s31 =	sshll.u32 s1, $0xD;
	s1 =	sshrl.u32 s1, $0x2  }
0xbf: {  	s3 =	sand.u32 $0x4000, s31;
	s1 =	sadd.s32 s1, s30  }
0xc0: {  	s0 =	sor.u32 s3, s0;
	s1 =	sshll.u32 s1, $0x11  }
0xc1: {  	s0 =	sor.u32 s1, s0  }
0xc2: {  	s0 =	sadd.s32 $0x8F2B, s0  }
0xc3: {  	[sflag:s0] =	ssyncadd.remote.s32 $0x1  }
0xc4: {  	_ =	sfence.sel $0xFFFF  }
0xc5: {  	[dreg:$0x0] =	wrdreg $0xFFFFFFFF;
	(pc) =	sbr.abs _section_cstart, $3  }
0xc6: {  	[dreg:$0x1] =	wrdreg $0xFFFFFFFF  }
0xc7: {  	_ =	task.clear_ibuf [dreg:s10], $0x2FFFF;
	_ =	strace $0x9FFFFFFF  }
0xc8: {  	(tm) =	ssettm $0x7FFFFFFF  }
0xc9: {  	_ =	shalt  }
tec
execute0_lowered:
.L_overlay_start_1:
0x0: {  	(tag) =	ssettag $0x1  }
0x1: {  	s0 =	rddreg [dreg:$0x0]  }
0x2: {  	s1 =	rddreg [dreg:$0x1]  }
0x3: {  	s6 =	rddreg [dreg:$0x3]  }
0x4: {  	s2 =	rddreg [dreg:$0x4]  }
0x5: {  	s3 =	simm.s32 $0x0;
	s4 =	srdreg.scid;
	s15 =	stileid.u32  }
0x6: {  	s16 =	simm.s32 $0x3;
	s18 =	simm.s32 $0x80;
	s20 =	simm.s32 $0xC00  }
0x7: {  	s22 =	simm.s32 $0x4C00;
	s24 =	simm.s32 $0x8C00;
	s26 =	simm.s32 $0xCC00  }
0x8: {  	s29 =	simm.s32 $0x10C00;
	s31 =	simm.s32 $0x14C00;
	s19 =	simm.s32 $0xB80  }
0x9: {  	s21 =	simm.s32 $0x0;
	[smem:$0x7FF] =	sst s3;
	s4 =	sand.u32 $0x1, s4  }
0xa: {  	s7 =	sshll.u32 s15, $0xB;
	s5 =	ssub.s32 $0x2, s4;
	s4 =	sshll.u32 s4, $0xA  }
0xb: {  	p0 =	sne.s32 s15, $0x0;
	_ =	strace $0x80000047;
	s4 =	sor.u32 s4, s7  }
0xc: {  	s15 =	sshrl.u32 @!p0 s2, $0x3;
	s8 =	sshrl.u32 s5, $0x1;
	s30 =	sshrl.u32 s4, $0x3  }
0xd: {  	s14 =	ssub.s32 s5, s8;
	s7 =	sshll.u32 s4, $0x4;
	s4 =	sadd.s32 s0, s30  }
0xe: {  	s5 =	sadd.s32 s1, s30;
	s6 =	sadd.s32 s6, s7;
	s14 =	smax.u32 s14, $0x1  }
0xf: {  	s0 =	simm.s32 $0x1;
	s1 =	simm.s32 $0x2;
	s7 =	sadd.s32 $0x800, s6  }
0x10: {  	s8 =	sadd.s32 $0x1000, s6;
	s9 =	sadd.s32 $0x1800, s6;
	s10 =	sadd.s32 $0x2000, s6  }
0x11: {  	s11 =	sadd.s32 $0x2800, s6;
	s12 =	sadd.s32 $0x3000, s6;
	s13 =	sadd.s32 $0x3800, s6  }
.LBB2_1:
0x12: {  	s23 =	simm.s32 @!p0 $0x1C03;
	s17 =	rddreg [dreg:$0x2]  }
0x13: {  	[spmem:s15], [sflag:s23] =	dma.local @!p0 [hbm:s17], $0x4010  }
0x14: {  	s23 =	simm.s32 @!p0 $0x3  }
0x15: {  	_ =	swait.ge @!p0 [sflag:s23], $0x4010  }
0x16: {  	[sflag:s23] =	ssyncset.done @!p0 $0x0  }
0x17: {  	[sflag:s23] =	ssyncadd.s32 @!p0 $0xFFFFBFF0  }
0x18: {  	[tilespmem:s3], [sflag:$0x3] =	stream.linear.gather [hbm4b:s4+s3], $0x400, $0x38;
	[tilespmem:$0x1AC08] =	vst v63  }
0x19: {  	_ =	swait.ge [sflag:s16], $0x400  }
0x1a: {  	[sflag:s16] =	ssyncset.done $0x0  }
0x1b: {  	s23 =	simm.s32 $0x400;
	[sflag:s16] =	ssyncadd.s32 $0xFFFFFC00  }
0x1c: {  	[tilespmem:s23], [sflag:$0x3] =	stream.linear.gather [hbm4b:s5+s3], $0x400, $0x38;
	[tilespmem:$0x1AC08] =	vst v63  }
0x1d: {  	_ =	swait.ge [sflag:s16], $0x400  }
0x1e: {  	[sflag:s16] =	ssyncset.done $0x0  }
0x1f: {  	s25 =	simm.s32 $0x0;
	[sflag:s16] =	ssyncadd.s32 $0xFFFFFC00  }
0x20: {  	v0 =	vld [tilespmem:s25+$0x0];
	_ =	sdelay $0x1  }
0x21: {  	v1 =	vld [tilespmem:s25+$0x400];
	_ =	sdelay $0x2  }
0x22: {  	v2 =	vshll.u32 v0, $0x5  }
0x23: {  	s17 =	sand.u32 $0xE00, s3;
	v0 =	vshrl.u32 v0, $0x10;
	v2 =	vand.u32 $0x1FFFE0, v2  }
0x24: {  	s28 =	sshrl.u32 s17, $0x2;
	s25 =	sand.u32 $0x70, s3;
	vm0 =	veq.s32 v1, $0x0;
	v0 =	vadd.s32 v0, v2  }
0x25: {  	s30 =	simm.s32 $0x10;
	s25 =	sor.u32 s25, s28;
	v0 =	vsel vm0, $0x400, v0  }
0x26: {  	s23 =	simm.s32 $0x40;
	s28 =	simm.s32 $0x80;
	[tilespmem:s25+$0x800] =	vst v0;
	s25 =	simm.s32 $0x0  }
.LBB2_2:
0x27: {  	p1 =	sne.s32 s28, $0xFC0;
	v0 =	vld [tilespmem:s30+$0x0];
	_ =	sdelay $0x1  }
0x28: {  	v1 =	vld [tilespmem:s30+$0x400];
	_ =	sdelay $0x2  }
.Ltmp0:
0x29: {  	v2 =	vshll.u32 v0, $0x5;
	(pc) =	sbr.rel @p1 .LBB2_2-.Ltmp0, $4  }
0x2a: {  	s25 =	sadd.s32 $0x10, s25;
	s30 =	sand.u32 $0xE00, s23;
	s23 =	smov.u32 s28;
	v0 =	vshrl.u32 v0, $0x10;
	v2 =	vand.u32 $0x1FFFE0, v2  }
0x2b: {  	s17 =	sand.u32 $0x70, s25;
	s30 =	sshrl.u32 s30, $0x2;
	v0 =	vadd.s32 v0, v2;
	vm0 =	veq.s32 v1, $0x0  }
0x2c: {  	s17 =	sor.u32 s17, s30;
	v0 =	vsel vm0, $0x400, v0  }
0x2d: {  	s28 =	sadd.s32 $0x40, s28;
	s30 =	sshra.s32 s23, $0x2;
	[tilespmem:s17+$0x800] =	vst v0  }
0x2e: {  	v0 =	vld [tilespmem:s30+$0x0];
	_ =	sdelay $0x1  }
0x2f: {  	v1 =	vld [tilespmem:s30+$0x400];
	_ =	sdelay $0x2  }
0x30: {  	v2 =	vshll.u32 v0, $0x5  }
0x31: {  	s17 =	sand.u32 $0xE00, s23;
	s30 =	sadd.s32 $0x10, s25;
	v0 =	vshrl.u32 v0, $0x10;
	v2 =	vand.u32 $0x1FFFE0, v2  }
0x32: {  	s23 =	sand.u32 $0x70, s30;
	s17 =	sshrl.u32 s17, $0x2;
	vm0 =	veq.s32 v1, $0x0;
	v0 =	vadd.s32 v0, v2  }
0x33: {  	s17 =	sor.u32 s23, s17;
	v0 =	vsel vm0, $0x400, v0  }
0x34: {  	[tilespmem:s17+$0x800] =	vst v0  }
0x35: {  	s25 =	simm.s32 $0x800;
	[bflag:$0x0] =	sbarrier.arrive $0xFFFF  }
0x36: {  	[tilespmem:s20], [sflag:$0x1] =	stream.indirect.gather [spmem:s2], $0x80, s25, s18, $0xb8;
	[tilespmem:$0x1AC08] =	vst v63  }
0x37: {  	s28 =	simm.s32 $0x880  }
0x38: {  	[tilespmem:s22], [sflag:$0x1] =	stream.indirect.gather [spmem:s2], $0x80, s28, s18, $0xb8;
	[tilespmem:$0x1AC08] =	vst v63  }
0x39: {  	s30 =	simm.s32 $0x900  }
0x3a: {  	[tilespmem:s24], [sflag:$0x1] =	stream.indirect.gather [spmem:s2], $0x80, s30, s18, $0xb8;
	[tilespmem:$0x1AC08] =	vst v63  }
0x3b: {  	s23 =	simm.s32 $0x980  }
0x3c: {  	[tilespmem:s26], [sflag:$0x1] =	stream.indirect.gather [spmem:s2], $0x80, s23, s18, $0xb8;
	[tilespmem:$0x1AC08] =	vst v63  }
0x3d: {  	s25 =	simm.s32 $0xA00  }
0x3e: {  	[tilespmem:s29], [sflag:$0x1] =	stream.indirect.gather [spmem:s2], $0x80, s25, s18, $0xb8;
	[tilespmem:$0x1AC08] =	vst v63  }
0x3f: {  	s28 =	simm.s32 $0xA80  }
0x40: {  	[tilespmem:s31], [sflag:$0x1] =	stream.indirect.gather [spmem:s2], $0x80, s28, s18, $0xb8;
	[tilespmem:$0x1AC08] =	vst v63  }
0x41: {  	_ =	swait.ge [sflag:s0], $0x4000  }
0x42: {  	[sflag:s0] =	ssyncset.done $0x0  }
0x43: {  	[sflag:s0] =	ssyncadd.s32 $0xFFFFC000  }
0x44: {  	[hbm4b:s6+s3] =	stream.linear.scatter [tilespmem:s20], [sflag:$0x2], $0x4000, $0x38;
	[tilespmem:$0x1AC08] =	vst v63  }
0x45: {  	_ =	swait.ge [sflag:s1], $0x4000  }
0x46: {  	[sflag:s1] =	ssyncset.done $0x0  }
0x47: {  	s30 =	simm.s32 $0xB00;
	[sflag:s1] =	ssyncadd.s32 $0xFFFFC000  }
0x48: {  	[tilespmem:s20], [sflag:$0x1] =	stream.indirect.gather [spmem:s2], $0x80, s30, s18, $0xb8;
	[tilespmem:$0x1AC08] =	vst v63  }
0x49: {  	_ =	swait.ge [sflag:s0], $0x4000  }
0x4a: {  	[sflag:s0] =	ssyncset.done $0x0  }
0x4b: {  	[sflag:s0] =	ssyncadd.s32 $0xFFFFC000  }
0x4c: {  	[hbm4b:s7+s3] =	stream.linear.scatter [tilespmem:s22], [sflag:$0x2], $0x4000, $0x38;
	[tilespmem:$0x1AC08] =	vst v63  }
0x4d: {  	_ =	swait.ge [sflag:s1], $0x4000  }
0x4e: {  	[sflag:s1] =	ssyncset.done $0x0  }
0x4f: {  	[sflag:s1] =	ssyncadd.s32 $0xFFFFC000  }
0x50: {  	[tilespmem:s22], [sflag:$0x1] =	stream.indirect.gather [spmem:s2], $0x80, s19, s18, $0xb8;
	[tilespmem:$0x1AC08] =	vst v63  }
0x51: {  	_ =	swait.ge [sflag:s0], $0x4000  }
0x52: {  	[sflag:s0] =	ssyncset.done $0x0  }
0x53: {  	[sflag:s0] =	ssyncadd.s32 $0xFFFFC000  }
0x54: {  	[hbm4b:s8+s3] =	stream.linear.scatter [tilespmem:s24], [sflag:$0x2], $0x4000, $0x38;
	[tilespmem:$0x1AC08] =	vst v63  }
0x55: {  	_ =	swait.ge [sflag:s0], $0x4000  }
0x56: {  	[sflag:s0] =	ssyncset.done $0x0  }
0x57: {  	[sflag:s0] =	ssyncadd.s32 $0xFFFFC000  }
0x58: {  	[hbm4b:s9+s3] =	stream.linear.scatter [tilespmem:s26], [sflag:$0x2], $0x4000, $0x38;
	[tilespmem:$0x1AC08] =	vst v63  }
0x59: {  	_ =	swait.ge [sflag:s0], $0x4000  }
0x5a: {  	[sflag:s0] =	ssyncset.done $0x0  }
0x5b: {  	[sflag:s0] =	ssyncadd.s32 $0xFFFFC000  }
0x5c: {  	[hbm4b:s10+s3] =	stream.linear.scatter [tilespmem:s29], [sflag:$0x2], $0x4000, $0x38;
	[tilespmem:$0x1AC08] =	vst v63  }
0x5d: {  	_ =	swait.ge [sflag:s0], $0x4000  }
0x5e: {  	[sflag:s0] =	ssyncset.done $0x0  }
0x5f: {  	[sflag:s0] =	ssyncadd.s32 $0xFFFFC000  }
0x60: {  	[hbm4b:s11+s3] =	stream.linear.scatter [tilespmem:s31], [sflag:$0x2], $0x4000, $0x38;
	[tilespmem:$0x1AC08] =	vst v63  }
0x61: {  	_ =	swait.ge [sflag:s0], $0x4000  }
0x62: {  	[sflag:s0] =	ssyncset.done $0x0  }
0x63: {  	[sflag:s0] =	ssyncadd.s32 $0xFFFFC000  }
0x64: {  	[hbm4b:s12+s3] =	stream.linear.scatter [tilespmem:s20], [sflag:$0x2], $0x4000, $0x38;
	[tilespmem:$0x1AC08] =	vst v63  }
0x65: {  	_ =	swait.ge [sflag:s0], $0x4000  }
0x66: {  	[sflag:s0] =	ssyncset.done $0x0  }
0x67: {  	[sflag:s0] =	ssyncadd.s32 $0xFFFFC000  }
0x68: {  	[hbm4b:s13+s3] =	stream.linear.scatter [tilespmem:s22], [sflag:$0x2], $0x4000, $0x38;
	[tilespmem:$0x1AC08] =	vst v63  }
0x69: {  	_ =	swait.ge [sflag:s1], $0x4000  }
0x6a: {  	[sflag:s1] =	ssyncset.done $0x0  }
0x6b: {  	[sflag:s1] =	ssyncadd.s32 $0xFFFFC000  }
0x6c: {  	_ =	swait.ge [sflag:s1], $0x4000  }
0x6d: {  	[sflag:s1] =	ssyncset.done $0x0  }
0x6e: {  	[sflag:s1] =	ssyncadd.s32 $0xFFFFC000  }
0x6f: {  	_ =	swait.ge [sflag:s1], $0x4000  }
0x70: {  	[sflag:s1] =	ssyncset.done $0x0  }
0x71: {  	[sflag:s1] =	ssyncadd.s32 $0xFFFFC000  }
0x72: {  	_ =	swait.ge [sflag:s1], $0x4000  }
0x73: {  	[sflag:s1] =	ssyncset.done $0x0  }
0x74: {  	s21 =	sadd.s32 $0x1, s21;
	[sflag:s1] =	ssyncadd.s32 $0xFFFFC000  }
0x75: {  	p1 =	sne.s32 s21, s14;
	_ =	swait.ge [sflag:s1], $0x4000  }
.Ltmp1:
0x76: {  	[sflag:s1] =	ssyncset.done $0x0;
	(pc) =	sbr.rel @p1 .LBB2_1-.Ltmp1, $4  }
0x77: {  	[sflag:s1] =	ssyncadd.s32 $0xFFFFC000  }
0x78: {  	_ =	swait.ge [sflag:s1], $0x4000  }
0x79: {  	[sflag:s1] =	ssyncset.done $0x0  }
0x7a: {  	[sflag:s1] =	ssyncadd.s32 $0xFFFFC000  }
0x7b: {  	_ =	sfence.sel $0x180000  }
0x7c: {  	[bflag:$0x0] =	sbarrier.arrive $0xFFFF  }
0x7d: {  	_ =	strace $0x90000047  }
0x7e: {  	[bflag:$0x2] =	sbarrier.arrive $0xFFFF  }
0x7f: {  	s0 =	rddreg [dreg:$0x5]  }
0x80: {  	s0 =	sadd.s32 @!p0 $0x100000, s0  }
0x81: {  	[sflag:s0] =	ssyncadd.tile.s32 @!p0 $0x1;
	_ =	shalt  }
.Lfunc_end2:
_tile_overlayer_lowered:
.L_overlay_start_2:
0x82: {  	(tag) =	ssettag $0x2  }
0x83: {  	s0 =	rddreg [dreg:$0x0];
	s2 =	stileid.u32  }
0x84: {  	s1 =	rddreg [dreg:$0x1];
	p0 =	sne.s32 s2, $0x0  }
0x85: {  	s3 =	rddreg [dreg:$0x2];
	[bflag:$0x3] =	sbarrier.arrive $0xFFFF;
	s2 =	simm.s32 @!p0 $0x1C03  }
0x86: {  	[timem:s3], [sflag:s2] =	dma.local @!p0 [hbm:s0], s1  }
0x87: {  	s0 =	simm.s32 @!p0 $0x3  }
0x88: {  	_ =	swait.ge @!p0 [sflag:s0], s1  }
0x89: {  	s1 =	ssub.s32 @!p0 $0x0, s1;
	[sflag:s0] =	ssyncset.done @!p0 $0x0  }
0x8a: {  	[sflag:s0] =	ssyncadd.s32 @!p0 s1  }
0x8b: {  	[bflag:$0x3] =	sbarrier.arrive $0xFFFF  }
0x8c: {  	_ =	shalt  }

</sc_bundles>
